<compile_context>
chip_gen: v7x
topology: tpu7x:2x2x1
jax: 0.10.2.dev20260603
libtpu: 0.0.44.dev20260713+nightly
codegen_flags: <defaults>
</compile_context>

<pallas_src>
import functools

import jax
import jax.numpy as jnp
from jax import lax
from jax.experimental import pallas as pl
from jax.experimental.pallas import tpu as pltpu
from jax.experimental.pallas import tpu_sc as plsc

N_NODES = 10000
N_EDGES = 320000
D = 128

NC = 2
NS = 16
NW = NC * NS
EPW = N_EDGES // NW
CH = 80
NCHUNK = EPW // CH
G = 25
NGRP = NCHUNK // G
ROWS_PT = 624
ROWS_TAIL = N_NODES - NS * ROWS_PT

_MESH = plsc.VectorSubcoreMesh(core_axis_name="c", subcore_axis_name="s")


def _zero_shared(zeros_hbm, sh, s):
    r0 = s * ROWS_PT
    pltpu.sync_copy(zeros_hbm.at[pl.ds(r0, ROWS_PT)],
                    sh.at[pl.ds(r0, ROWS_PT)])

    @pl.when(s == 0)
    def _():
        t0 = NS * ROWS_PT
        pltpu.sync_copy(zeros_hbm.at[pl.ds(t0, ROWS_TAIL)],
                        sh.at[pl.ds(t0, ROWS_TAIL)])


def _writeback_shared(sh, out, c, s):
    r0 = s * ROWS_PT
    pltpu.sync_copy(sh.at[pl.ds(r0, ROWS_PT)],
                    out.at[c, pl.ds(r0, ROWS_PT)])

    @pl.when(s == 0)
    def _():
        t0 = NS * ROWS_PT
        pltpu.sync_copy(sh.at[pl.ds(t0, ROWS_TAIL)],
                        out.at[c, pl.ds(t0, ROWS_TAIL)])


def _seg_body(x_hbm, src_hbm, dst_hbm, zeros_hbm, agg_out,
              src_v, dst_v, rows_a, rows_b, agg_sh, gsa, gsb, ssa, ssb):
    c = lax.axis_index("c")
    s = lax.axis_index("s")
    wid = c * NS + s

    _zero_shared(zeros_hbm, agg_sh, s)
    plsc.subcore_barrier()

    def gather(j, buf, sem):
        pltpu.async_copy(x_hbm.at[src_v.at[j]], buf, sem)

    def wait_gather(j, buf, sem):
        pltpu.make_async_copy(x_hbm.at[src_v.at[j]], buf, sem).wait()

    def scatter(j, buf, sem):
        pltpu.async_copy(buf, agg_sh.at[dst_v.at[j]], sem, add=True)

    def wait_scatter(j, buf, sem):
        pltpu.make_async_copy(buf, agg_sh.at[dst_v.at[j]], sem).wait()

    def pair_body(k, carry):
        j0 = 2 * k
        wait_gather(j0, rows_a, gsa)
        scatter(j0, rows_a, ssa)

        @pl.when(k > 0)
        def _():
            wait_scatter(j0 - 1, rows_b, ssb)

        gather(j0 + 1, rows_b, gsb)
        wait_gather(j0 + 1, rows_b, gsb)
        scatter(j0 + 1, rows_b, ssb)
        wait_scatter(j0, rows_a, ssa)
        gather(j0 + 2, rows_a, gsa)
        return carry

    def group_body(g, carry):
        pltpu.sync_copy(src_hbm.at[wid, g], src_v)
        pltpu.sync_copy(dst_hbm.at[wid, g], dst_v)
        gather(0, rows_a, gsa)
        carry = lax.fori_loop(0, (G - 1) // 2, pair_body, carry)
        wait_gather(G - 1, rows_a, gsa)
        scatter(G - 1, rows_a, ssa)
        wait_scatter(G - 2, rows_b, ssb)
        wait_scatter(G - 1, rows_a, ssa)
        return carry

    lax.fori_loop(0, NGRP, group_body, 0)
    plsc.subcore_barrier()
    _writeback_shared(agg_sh, agg_out, c, s)


NP = N_NODES + 16
NH = 8


def _deg_body(dst_hbm, deg_out, dst_v, hist_v):
    c = lax.axis_index("c")
    s = lax.axis_index("s")
    wid = c * NS + s

    def zero(r, carry):
        hist_v[pl.ds(16 * r, 16)] = jnp.zeros((16,), jnp.float32)
        return carry

    lax.fori_loop(0, NH * NP // 16, zero, 0)
    pltpu.sync_copy(dst_hbm.at[pl.ds(wid * EPW, EPW)], dst_v)

    lane = lax.iota(jnp.int32, 16)
    base = (lane & (NH - 1)) * NP
    mask_lo = lane < NH
    mask_hi = lane >= NH
    ones = jnp.ones((16,), jnp.float32)

    def count(e, carry):
        idxv = dst_v[pl.ds(16 * e, 16)] + base
        plsc.addupdate_scatter(hist_v, [idxv], ones, mask=mask_lo)
        plsc.addupdate_scatter(hist_v, [idxv], ones, mask=mask_hi)
        return carry

    lax.fori_loop(0, EPW // 16, count, 0)

    def merge(r, carry):
        acc = hist_v[pl.ds(16 * r, 16)]
        for k in range(1, NH):
            acc = acc + hist_v[pl.ds(k * NP + 16 * r, 16)]
        hist_v[pl.ds(16 * r, 16)] = acc
        return carry

    lax.fori_loop(0, N_NODES // 16, merge, 0)
    pltpu.sync_copy(hist_v.at[pl.ds(0, N_NODES)],
                    deg_out.at[pl.ds(wid * N_NODES, N_NODES)])


_seg_sum = pl.kernel(
    _seg_body,
    out_type=jax.ShapeDtypeStruct((NC, N_NODES, D), jnp.float32),
    mesh=_MESH,
    scratch_types=[
        pltpu.VMEM((G, CH), jnp.int32),
        pltpu.VMEM((G, CH), jnp.int32),
        pltpu.VMEM((CH, D), jnp.float32),
        pltpu.VMEM((CH, D), jnp.float32),
        pltpu.VMEM_SHARED((N_NODES, D), jnp.float32),
        pltpu.SemaphoreType.DMA,
        pltpu.SemaphoreType.DMA,
        pltpu.SemaphoreType.DMA,
        pltpu.SemaphoreType.DMA,
    ],
)
assert G % 2 == 1

_deg_sum = pl.kernel(
    _deg_body,
    out_type=jax.ShapeDtypeStruct((NW * N_NODES,), jnp.float32),
    mesh=_MESH,
    scratch_types=[
        pltpu.VMEM((EPW,), jnp.int32),
        pltpu.VMEM((NH * NP,), jnp.float32),
    ],
    compiler_params=pltpu.CompilerParams(needs_layout_passes=False),
)


def _layer_body(relu, p_ref, degp_ref, x_ref, wl_ref, wr_ref, b_ref, out_ref):
    agg = p_ref[0] + p_ref[1]
    deg = jnp.sum(degp_ref[...], axis=1, keepdims=True)
    inv = 1.0 / jnp.maximum(deg, 1.0)
    hp = jax.lax.Precision.HIGHEST
    acc = (jnp.dot(agg * inv, wl_ref[...], precision=hp,
                   preferred_element_type=jnp.float32)
           + jnp.dot(x_ref[...], wr_ref[...], precision=hp,
                     preferred_element_type=jnp.float32)
           + b_ref[...])
    out_ref[...] = jnp.maximum(acc, 0.0) if relu else acc


def _tc_layer(p, degp, x, Wl, Wr, b, relu):
    BR = 2000
    grid = (N_NODES // BR,)
    return pl.pallas_call(
        functools.partial(_layer_body, relu),
        grid=grid,
        in_specs=[
            pl.BlockSpec((NC, BR, D), lambda i: (0, i, 0)),
            pl.BlockSpec((BR, NW), lambda i: (i, 0)),
            pl.BlockSpec((BR, D), lambda i: (i, 0)),
            pl.BlockSpec((D, D), lambda i: (0, 0)),
            pl.BlockSpec((D, D), lambda i: (0, 0)),
            pl.BlockSpec((1, D), lambda i: (0, 0)),
        ],
        out_specs=pl.BlockSpec((BR, D), lambda i: (i, 0)),
        out_shape=jax.ShapeDtypeStruct((N_NODES, D), jnp.float32),
    )(p, degp, x, Wl, Wr, b.reshape(1, D))


def kernel(x, edge_index, Wl1, Wr1, b1, Wl2, Wr2, b2):
    src = edge_index[0].astype(jnp.int32).reshape(NW, NGRP, G, CH)
    dst = edge_index[1].astype(jnp.int32).reshape(NW, NGRP, G, CH)
    dst_flat = edge_index[1].astype(jnp.int32)
    zeros = jnp.zeros((N_NODES, D), jnp.float32)

    degp = jnp.transpose(_deg_sum(dst_flat).reshape(NW, N_NODES))
    p1 = _seg_sum(x, src, dst, zeros)
    h = _tc_layer(p1, degp, x, Wl1, Wr1, b1, relu=True)
    p2 = _seg_sum(h, src, dst, zeros)
    out = _tc_layer(p2, degp, h, Wl2, Wr2, b2, relu=False)
    return out

# --- scband reference (transcript-rebuilt; emitter-appended) ---
"""Pipeline reference for scband-inductive-model-16862041604204 (READ-ONLY COPY).

The authoritative reference and input builder live on the scoring server;
editing this copy changes nothing except your own understanding.
"""

import jax, jax.numpy as jnp
import numpy as np

N_NODES = 10000
N_EDGES = 320000
D_IN = 128
D_HID = 128
D_OUT = 128


def _glorot(key, shape):
    fan_in, fan_out = shape[0], shape[1]
    limit = float(np.sqrt(6.0 / (fan_in + fan_out)))
    return jax.random.uniform(key, shape, dtype=jnp.float32, minval=-limit, maxval=limit)


def setup_inputs(seed: int = 0) -> dict:
    key = jax.random.key(seed)
    ks = jax.random.split(key, 8)
    x = jax.random.normal(ks[0], (N_NODES, D_IN), dtype=jnp.float32)
    edge_index = jax.random.randint(ks[1], (2, N_EDGES), 0, N_NODES, dtype=jnp.int64)
    # SAGEConv layer 1: lin_l (neighbor aggregate, with bias), lin_r (root, no bias)
    Wl1 = _glorot(ks[2], (D_IN, D_HID))
    Wr1 = _glorot(ks[3], (D_IN, D_HID))
    b1 = jnp.zeros((D_HID,), dtype=jnp.float32)
    # SAGEConv layer 2
    Wl2 = _glorot(ks[4], (D_HID, D_OUT))
    Wr2 = _glorot(ks[5], (D_HID, D_OUT))
    b2 = jnp.zeros((D_OUT,), dtype=jnp.float32)
    return {"x": x, "edge_index": edge_index, "Wl1": Wl1, "Wr1": Wr1, "b1": b1,
            "Wl2": Wl2, "Wr2": Wr2, "b2": b2}


def _sage_conv(x, edge_index, Wl, Wr, b):
    # PyG SAGEConv with mean aggregation:
    # out = lin_l(mean_{j in N(i)} x_j) + lin_r(x_i)
    src = edge_index[0]
    dst = edge_index[1]
    n = x.shape[0]
    msg = jnp.take(x, src, axis=0)                       # gather  [E, d]
    agg = jax.ops.segment_sum(msg, dst, num_segments=n)  # scatter-add [N, d]
    deg = jax.ops.segment_sum(jnp.ones((edge_index.shape[1],), dtype=x.dtype), dst,
                              num_segments=n)
    mean = agg / jnp.clip(deg, 1.0, None)[:, None]
    return mean @ Wl + b + x @ Wr


def reference(x, edge_index, Wl1, Wr1, b1, Wl2, Wr2, b2):
    # layer 1 + relu (dropout is identity in eval mode)
    h = _sage_conv(x, edge_index, Wl1, Wr1, b1)
    h = jax.nn.relu(h)
    # layer 2 (final layer: no activation)
    out = _sage_conv(h, edge_index, Wl2, Wr2, b2)
    return out

if __name__ == "__main__":
    import jax
    _d = setup_inputs()
    print(jax.jit(kernel)(*tuple(_d.values())))

</pallas_src>

<mosaic_0001>
#map = affine_map<(d0, d1) -> (0, 0)>
#map1 = affine_map<(d0, d1) -> (0, 0, 0, 0)>
#map2 = affine_map<(d0, d1) -> (0, 0, 0)>
module attributes {stable_mosaic.version = 14 : i64} {
  func.func @_seg_body(%arg0: i32, %arg1: i32, %arg2: memref<10000x128xf32, #tpu.memory_space<hbm>>, %arg3: memref<32x5x25x80xi32, #tpu.memory_space<hbm>>, %arg4: memref<32x5x25x80xi32, #tpu.memory_space<hbm>>, %arg5: memref<10000x128xf32, #tpu.memory_space<hbm>>, %arg6: memref<2x10000x128xf32, #tpu.memory_space<hbm>>, %arg7: memref<25x80xi32, #tpu.memory_space<vmem>>, %arg8: memref<25x80xi32, #tpu.memory_space<vmem>>, %arg9: memref<80x128xf32, #tpu.memory_space<vmem>>, %arg10: memref<80x128xf32, #tpu.memory_space<vmem>>, %arg11: memref<10000x128xf32, #tpu.memory_space<vmem_shared>>, %arg12: memref<!tpu.dma_semaphore, #tpu.memory_space<semaphore_mem>>, %arg13: memref<!tpu.dma_semaphore, #tpu.memory_space<semaphore_mem>>, %arg14: memref<!tpu.dma_semaphore, #tpu.memory_space<semaphore_mem>>, %arg15: memref<!tpu.dma_semaphore, #tpu.memory_space<semaphore_mem>>) attributes {dimension_semantics = [#tpu.dimension_semantics<core_parallel>, #tpu.dimension_semantics<subcore_parallel>], iteration_bounds = array<i64: 2, 16>, scalar_prefetch = 0 : i64, scratch_operands = 9 : i64, tpu.core_type = #tpu.core_type<sc_vector_subcore>, window_params = [{transform_indices = #map}, {transform_indices = #map1}, {transform_indices = #map1}, {transform_indices = #map}, {transform_indices = #map2}]} {
    %mul3A = arith.constant 16 : i32
    %mul3A_0 = arith.muli %arg0, %mul3A : i32
    %add3A = arith.addi %mul3A_0, %arg1 : i32
    %mul3A_1 = arith.constant 624 : i32
    %mul3A_2 = arith.muli %arg1, %mul3A_1 : i32
    "tpu.region"() ({
      %run_scoped3A = tpu.sem_alloc : memref<!tpu.dma_semaphore, #tpu.memory_space<semaphore_mem>>
      %dma_start3A = arith.constant 0 : i32
      %dma_start3A_18 = tpu.memref_slice %arg11[%mul3A_2, %dma_start3A] : memref<10000x128xf32, #tpu.memory_space<vmem_shared>> -> memref<624x128xf32, #tpu.memory_space<vmem_shared>>
      %dma_start3A_19 = arith.constant 0 : i32
      %dma_start3A_20 = tpu.memref_slice %arg5[%mul3A_2, %dma_start3A_19] : memref<10000x128xf32, #tpu.memory_space<hbm>> -> memref<624x128xf32, #tpu.memory_space<hbm>>
      tpu.enqueue_dma source(%dma_start3A_20 : memref<624x128xf32, #tpu.memory_space<hbm>>) target(%dma_start3A_18 : memref<624x128xf32, #tpu.memory_space<vmem_shared>>) target_semaphore(%run_scoped3A : memref<!tpu.dma_semaphore, #tpu.memory_space<semaphore_mem>>)
      %dma_wait3A = arith.constant 0 : i32
      %dma_wait3A_21 = tpu.memref_slice %arg11[%mul3A_2, %dma_wait3A] : memref<10000x128xf32, #tpu.memory_space<vmem_shared>> -> memref<624x128xf32, #tpu.memory_space<vmem_shared>>
      %dma_wait3A_22 = arith.constant 0 : i32
      %dma_wait3A_23 = tpu.memref_slice %arg5[%mul3A_2, %dma_wait3A_22] : memref<10000x128xf32, #tpu.memory_space<hbm>> -> memref<624x128xf32, #tpu.memory_space<hbm>>
      tpu.wait_dma2 semaphore(%run_scoped3A : memref<!tpu.dma_semaphore, #tpu.memory_space<semaphore_mem>>) src(%dma_wait3A_23 : memref<624x128xf32, #tpu.memory_space<hbm>>) dst(%dma_wait3A_21 : memref<624x128xf32, #tpu.memory_space<vmem_shared>>)
      tpu.yield
    }) : () -> ()
    %eq3A = arith.constant 0 : i32
    %eq3A_3 = arith.cmpi eq, %arg1, %eq3A : i32
    %convert_element_type3A = arith.extui %eq3A_3 : i1 to i32
    %cond3A = arith.constant 0 : i32
    %cond3A_4 = arith.cmpi ne, %convert_element_type3A, %cond3A : i32
    scf.if %cond3A_4 {
      "tpu.region"() ({
        %run_scoped3A = tpu.sem_alloc : memref<!tpu.dma_semaphore, #tpu.memory_space<semaphore_mem>>
        %dma_start3A = arith.constant 9984 : i32
        %dma_start3A_18 = arith.constant 0 : i32
        %dma_start3A_19 = tpu.memref_slice %arg11[%dma_start3A, %dma_start3A_18] : memref<10000x128xf32, #tpu.memory_space<vmem_shared>> -> memref<16x128xf32, #tpu.memory_space<vmem_shared>>
        %dma_start3A_20 = arith.constant 9984 : i32
        %dma_start3A_21 = arith.constant 0 : i32
        %dma_start3A_22 = tpu.memref_slice %arg5[%dma_start3A_20, %dma_start3A_21] : memref<10000x128xf32, #tpu.memory_space<hbm>> -> memref<16x128xf32, #tpu.memory_space<hbm>>
        tpu.enqueue_dma source(%dma_start3A_22 : memref<16x128xf32, #tpu.memory_space<hbm>>) target(%dma_start3A_19 : memref<16x128xf32, #tpu.memory_space<vmem_shared>>) target_semaphore(%run_scoped3A : memref<!tpu.dma_semaphore, #tpu.memory_space<semaphore_mem>>)
        %dma_wait3A = arith.constant 9984 : i32
        %dma_wait3A_23 = arith.constant 0 : i32
        %dma_wait3A_24 = tpu.memref_slice %arg11[%dma_wait3A, %dma_wait3A_23] : memref<10000x128xf32, #tpu.memory_space<vmem_shared>> -> memref<16x128xf32, #tpu.memory_space<vmem_shared>>
        %dma_wait3A_25 = arith.constant 9984 : i32
        %dma_wait3A_26 = arith.constant 0 : i32
        %dma_wait3A_27 = tpu.memref_slice %arg5[%dma_wait3A_25, %dma_wait3A_26] : memref<10000x128xf32, #tpu.memory_space<hbm>> -> memref<16x128xf32, #tpu.memory_space<hbm>>
        tpu.wait_dma2 semaphore(%run_scoped3A : memref<!tpu.dma_semaphore, #tpu.memory_space<semaphore_mem>>) src(%dma_wait3A_27 : memref<16x128xf32, #tpu.memory_space<hbm>>) dst(%dma_wait3A_24 : memref<16x128xf32, #tpu.memory_space<vmem_shared>>)
        tpu.yield
      }) : () -> ()
    } else {
    }
    %barrier3A = arith.constant 0 : index
    tpu.barrier barrier_id(%barrier3A)
    %scan3A = arith.constant 0 : i32
    %scan3A_5 = arith.constant 0 : i32
    %scan3A_6 = arith.constant 5 : i32
    %scan3A_7 = arith.addi %scan3A_5, %scan3A_6 : i32
    %scan3A_8 = arith.constant 1 : i32
    scf.for %scan3A_18 = %scan3A_5 to %scan3A_7 step %scan3A_8  : i32 {
      "tpu.region"() ({
        %run_scoped3A = tpu.sem_alloc : memref<!tpu.dma_semaphore, #tpu.memory_space<semaphore_mem>>
        %dma_start3A_57 = arith.constant 0 : i32
        %dma_start3A_58 = arith.constant 0 : i32
        %dma_start3A_59 = tpu.memref_slice %arg3[%add3A, %scan3A_18, %dma_start3A_57, %dma_start3A_58] : memref<32x5x25x80xi32, #tpu.memory_space<hbm>> -> memref<1x1x25x80xi32, #tpu.memory_space<hbm>>
        %dma_start3A_60 = tpu.memref_squeeze %dma_start3A_59 : memref<1x1x25x80xi32, #tpu.memory_space<hbm>> -> memref<25x80xi32, #tpu.memory_space<hbm>>
        %dma_start3A_61 = arith.constant 0 : i32
        %dma_start3A_62 = arith.constant 0 : i32
        %dma_start3A_63 = tpu.memref_slice %arg3[%add3A, %scan3A_18, %dma_start3A_61, %dma_start3A_62] : memref<32x5x25x80xi32, #tpu.memory_space<hbm>> -> memref<1x1x25x80xi32, #tpu.memory_space<hbm>>
        %dma_start3A_64 = tpu.memref_squeeze %dma_start3A_63 : memref<1x1x25x80xi32, #tpu.memory_space<hbm>> -> memref<25x80xi32, #tpu.memory_space<hbm>>
        tpu.enqueue_dma source(%dma_start3A_64 : memref<25x80xi32, #tpu.memory_space<hbm>>) target(%arg7 : memref<25x80xi32, #tpu.memory_space<vmem>>) target_semaphore(%run_scoped3A : memref<!tpu.dma_semaphore, #tpu.memory_space<semaphore_mem>>)
        %dma_wait3A_65 = arith.constant 0 : i32
        %dma_wait3A_66 = arith.constant 0 : i32
        %dma_wait3A_67 = tpu.memref_slice %arg3[%add3A, %scan3A_18, %dma_wait3A_65, %dma_wait3A_66] : memref<32x5x25x80xi32, #tpu.memory_space<hbm>> -> memref<1x1x25x80xi32, #tpu.memory_space<hbm>>
        %dma_wait3A_68 = tpu.memref_squeeze %dma_wait3A_67 : memref<1x1x25x80xi32, #tpu.memory_space<hbm>> -> memref<25x80xi32, #tpu.memory_space<hbm>>
        %dma_wait3A_69 = arith.constant 0 : i32
        %dma_wait3A_70 = arith.constant 0 : i32
        %dma_wait3A_71 = tpu.memref_slice %arg3[%add3A, %scan3A_18, %dma_wait3A_69, %dma_wait3A_70] : memref<32x5x25x80xi32, #tpu.memory_space<hbm>> -> memref<1x1x25x80xi32, #tpu.memory_space<hbm>>
        %dma_wait3A_72 = tpu.memref_squeeze %dma_wait3A_71 : memref<1x1x25x80xi32, #tpu.memory_space<hbm>> -> memref<25x80xi32, #tpu.memory_space<hbm>>
        tpu.wait_dma2 semaphore(%run_scoped3A : memref<!tpu.dma_semaphore, #tpu.memory_space<semaphore_mem>>) src(%dma_wait3A_72 : memref<25x80xi32, #tpu.memory_space<hbm>>) dst(%arg7 : memref<25x80xi32, #tpu.memory_space<vmem>>)
        tpu.yield
      }) : () -> ()
      "tpu.region"() ({
        %run_scoped3A = tpu.sem_alloc : memref<!tpu.dma_semaphore, #tpu.memory_space<semaphore_mem>>
        %dma_start3A_57 = arith.constant 0 : i32
        %dma_start3A_58 = arith.constant 0 : i32
        %dma_start3A_59 = tpu.memref_slice %arg4[%add3A, %scan3A_18, %dma_start3A_57, %dma_start3A_58] : memref<32x5x25x80xi32, #tpu.memory_space<hbm>> -> memref<1x1x25x80xi32, #tpu.memory_space<hbm>>
        %dma_start3A_60 = tpu.memref_squeeze %dma_start3A_59 : memref<1x1x25x80xi32, #tpu.memory_space<hbm>> -> memref<25x80xi32, #tpu.memory_space<hbm>>
        %dma_start3A_61 = arith.constant 0 : i32
        %dma_start3A_62 = arith.constant 0 : i32
        %dma_start3A_63 = tpu.memref_slice %arg4[%add3A, %scan3A_18, %dma_start3A_61, %dma_start3A_62] : memref<32x5x25x80xi32, #tpu.memory_space<hbm>> -> memref<1x1x25x80xi32, #tpu.memory_space<hbm>>
        %dma_start3A_64 = tpu.memref_squeeze %dma_start3A_63 : memref<1x1x25x80xi32, #tpu.memory_space<hbm>> -> memref<25x80xi32, #tpu.memory_space<hbm>>
        tpu.enqueue_dma source(%dma_start3A_64 : memref<25x80xi32, #tpu.memory_space<hbm>>) target(%arg8 : memref<25x80xi32, #tpu.memory_space<vmem>>) target_semaphore(%run_scoped3A : memref<!tpu.dma_semaphore, #tpu.memory_space<semaphore_mem>>)
        %dma_wait3A_65 = arith.constant 0 : i32
        %dma_wait3A_66 = arith.constant 0 : i32
        %dma_wait3A_67 = tpu.memref_slice %arg4[%add3A, %scan3A_18, %dma_wait3A_65, %dma_wait3A_66] : memref<32x5x25x80xi32, #tpu.memory_space<hbm>> -> memref<1x1x25x80xi32, #tpu.memory_space<hbm>>
        %dma_wait3A_68 = tpu.memref_squeeze %dma_wait3A_67 : memref<1x1x25x80xi32, #tpu.memory_space<hbm>> -> memref<25x80xi32, #tpu.memory_space<hbm>>
        %dma_wait3A_69 = arith.constant 0 : i32
        %dma_wait3A_70 = arith.constant 0 : i32
        %dma_wait3A_71 = tpu.memref_slice %arg4[%add3A, %scan3A_18, %dma_wait3A_69, %dma_wait3A_70] : memref<32x5x25x80xi32, #tpu.memory_space<hbm>> -> memref<1x1x25x80xi32, #tpu.memory_space<hbm>>
        %dma_wait3A_72 = tpu.memref_squeeze %dma_wait3A_71 : memref<1x1x25x80xi32, #tpu.memory_space<hbm>> -> memref<25x80xi32, #tpu.memory_space<hbm>>
        tpu.wait_dma2 semaphore(%run_scoped3A : memref<!tpu.dma_semaphore, #tpu.memory_space<semaphore_mem>>) src(%dma_wait3A_72 : memref<25x80xi32, #tpu.memory_space<hbm>>) dst(%arg8 : memref<25x80xi32, #tpu.memory_space<vmem>>)
        tpu.yield
      }) : () -> ()
      %dma_start3A = arith.constant 0 : i32
      %dma_start3A_19 = arith.constant 0 : i32
      %dma_start3A_20 = tpu.memref_slice %arg7[%dma_start3A, %dma_start3A_19] : memref<25x80xi32, #tpu.memory_space<vmem>> -> memref<1x80xi32, #tpu.memory_space<vmem>>
      %dma_start3A_21 = tpu.memref_squeeze %dma_start3A_20 : memref<1x80xi32, #tpu.memory_space<vmem>> -> memref<80xi32, #tpu.memory_space<vmem>>
      %dma_start3A_22 = arith.constant 0 : i32
      %dma_start3A_23 = arith.constant 0 : i32
      %dma_start3A_24 = tpu.memref_slice %arg2[%dma_start3A_22, %dma_start3A_23] : memref<10000x128xf32, #tpu.memory_space<hbm>> -> memref<10000x128xf32, #tpu.memory_space<hbm>>
      tpu.enqueue_indirect_dma source(%dma_start3A_24 : memref<10000x128xf32, #tpu.memory_space<hbm>>) target(%arg9 : memref<80x128xf32, #tpu.memory_space<vmem>>) offsets(%dma_start3A_21 : memref<80xi32, #tpu.memory_space<vmem>>) semaphore(%arg12 : memref<!tpu.dma_semaphore, #tpu.memory_space<semaphore_mem>>)
      %scan3A_25 = arith.constant 0 : i32
      %scan3A_26 = arith.constant 12 : i32
      %scan3A_27 = arith.addi %scan3A_25, %scan3A_26 : i32
      %scan3A_28 = arith.constant 1 : i32
      scf.for %scan3A_57 = %scan3A_25 to %scan3A_27 step %scan3A_28  : i32 {
        %mul3A_58 = arith.constant 2 : i32
        %mul3A_59 = arith.muli %mul3A_58, %scan3A_57 : i32
        %dma_wait3A_60 = arith.constant 0 : i32
        %dma_wait3A_61 = tpu.memref_slice %arg7[%mul3A_59, %dma_wait3A_60] : memref<25x80xi32, #tpu.memory_space<vmem>> -> memref<1x80xi32, #tpu.memory_space<vmem>>
        %dma_wait3A_62 = tpu.memref_squeeze %dma_wait3A_61 : memref<1x80xi32, #tpu.memory_space<vmem>> -> memref<80xi32, #tpu.memory_space<vmem>>
        %dma_wait3A_63 = arith.constant 0 : i32
        %dma_wait3A_64 = arith.constant 0 : i32
        %dma_wait3A_65 = tpu.memref_slice %arg2[%dma_wait3A_63, %dma_wait3A_64] : memref<10000x128xf32, #tpu.memory_space<hbm>> -> memref<10000x128xf32, #tpu.memory_space<hbm>>
        tpu.wait_indirect_dma semaphore(%arg12 : memref<!tpu.dma_semaphore, #tpu.memory_space<semaphore_mem>>) src(%dma_wait3A_65 : memref<10000x128xf32, #tpu.memory_space<hbm>>) dst(%arg9 : memref<80x128xf32, #tpu.memory_space<vmem>>)
        %dma_start3A_66 = arith.constant 0 : i32
        %dma_start3A_67 = tpu.memref_slice %arg8[%mul3A_59, %dma_start3A_66] : memref<25x80xi32, #tpu.memory_space<vmem>> -> memref<1x80xi32, #tpu.memory_space<vmem>>
        %dma_start3A_68 = tpu.memref_squeeze %dma_start3A_67 : memref<1x80xi32, #tpu.memory_space<vmem>> -> memref<80xi32, #tpu.memory_space<vmem>>
        %dma_start3A_69 = arith.constant 0 : i32
        %dma_start3A_70 = arith.constant 0 : i32
        %dma_start3A_71 = tpu.memref_slice %arg11[%dma_start3A_69, %dma_start3A_70] : memref<10000x128xf32, #tpu.memory_space<vmem_shared>> -> memref<10000x128xf32, #tpu.memory_space<vmem_shared>>
        tpu.enqueue_indirect_dma source(%arg9 : memref<80x128xf32, #tpu.memory_space<vmem>>) target(%dma_start3A_71 : memref<10000x128xf32, #tpu.memory_space<vmem_shared>>) offsets(%dma_start3A_68 : memref<80xi32, #tpu.memory_space<vmem>>) semaphore(%arg14 : memref<!tpu.dma_semaphore, #tpu.memory_space<semaphore_mem>>) {add = true}
        %gt3A = arith.constant 0 : i32
        %gt3A_72 = arith.cmpi sgt, %scan3A_57, %gt3A : i32
        %convert_element_type3A_73 = arith.extui %gt3A_72 : i1 to i32
        %cond3A_74 = arith.constant 0 : i32
        %cond3A_75 = arith.cmpi ne, %convert_element_type3A_73, %cond3A_74 : i32
        scf.if %cond3A_75 {
          %sub3A = arith.constant 1 : i32
          %sub3A_114 = arith.subi %mul3A_59, %sub3A : i32
          %dma_wait3A_115 = arith.constant 0 : i32
          %dma_wait3A_116 = tpu.memref_slice %arg8[%sub3A_114, %dma_wait3A_115] : memref<25x80xi32, #tpu.memory_space<vmem>> -> memref<1x80xi32, #tpu.memory_space<vmem>>
          %dma_wait3A_117 = tpu.memref_squeeze %dma_wait3A_116 : memref<1x80xi32, #tpu.memory_space<vmem>> -> memref<80xi32, #tpu.memory_space<vmem>>
          %dma_wait3A_118 = arith.constant 0 : i32
          %dma_wait3A_119 = arith.constant 0 : i32
          %dma_wait3A_120 = tpu.memref_slice %arg11[%dma_wait3A_118, %dma_wait3A_119] : memref<10000x128xf32, #tpu.memory_space<vmem_shared>> -> memref<10000x128xf32, #tpu.memory_space<vmem_shared>>
          tpu.wait_indirect_dma semaphore(%arg15 : memref<!tpu.dma_semaphore, #tpu.memory_space<semaphore_mem>>) src(%arg10 : memref<80x128xf32, #tpu.memory_space<vmem>>) dst(%dma_wait3A_120 : memref<10000x128xf32, #tpu.memory_space<vmem_shared>>)
        } else {
        }
        %add3A_76 = arith.constant 1 : i32
        %add3A_77 = arith.addi %mul3A_59, %add3A_76 : i32
        %dma_start3A_78 = arith.constant 0 : i32
        %dma_start3A_79 = tpu.memref_slice %arg7[%add3A_77, %dma_start3A_78] : memref<25x80xi32, #tpu.memory_space<vmem>> -> memref<1x80xi32, #tpu.memory_space<vmem>>
        %dma_start3A_80 = tpu.memref_squeeze %dma_start3A_79 : memref<1x80xi32, #tpu.memory_space<vmem>> -> memref<80xi32, #tpu.memory_space<vmem>>
        %dma_start3A_81 = arith.constant 0 : i32
        %dma_start3A_82 = arith.constant 0 : i32
        %dma_start3A_83 = tpu.memref_slice %arg2[%dma_start3A_81, %dma_start3A_82] : memref<10000x128xf32, #tpu.memory_space<hbm>> -> memref<10000x128xf32, #tpu.memory_space<hbm>>
        tpu.enqueue_indirect_dma source(%dma_start3A_83 : memref<10000x128xf32, #tpu.memory_space<hbm>>) target(%arg10 : memref<80x128xf32, #tpu.memory_space<vmem>>) offsets(%dma_start3A_80 : memref<80xi32, #tpu.memory_space<vmem>>) semaphore(%arg13 : memref<!tpu.dma_semaphore, #tpu.memory_space<semaphore_mem>>)
        %add3A_84 = arith.constant 1 : i32
        %add3A_85 = arith.addi %mul3A_59, %add3A_84 : i32
        %dma_wait3A_86 = arith.constant 0 : i32
        %dma_wait3A_87 = tpu.memref_slice %arg7[%add3A_85, %dma_wait3A_86] : memref<25x80xi32, #tpu.memory_space<vmem>> -> memref<1x80xi32, #tpu.memory_space<vmem>>
        %dma_wait3A_88 = tpu.memref_squeeze %dma_wait3A_87 : memref<1x80xi32, #tpu.memory_space<vmem>> -> memref<80xi32, #tpu.memory_space<vmem>>
        %dma_wait3A_89 = arith.constant 0 : i32
        %dma_wait3A_90 = arith.constant 0 : i32
        %dma_wait3A_91 = tpu.memref_slice %arg2[%dma_wait3A_89, %dma_wait3A_90] : memref<10000x128xf32, #tpu.memory_space<hbm>> -> memref<10000x128xf32, #tpu.memory_space<hbm>>
        tpu.wait_indirect_dma semaphore(%arg13 : memref<!tpu.dma_semaphore, #tpu.memory_space<semaphore_mem>>) src(%dma_wait3A_91 : memref<10000x128xf32, #tpu.memory_space<hbm>>) dst(%arg10 : memref<80x128xf32, #tpu.memory_space<vmem>>)
        %add3A_92 = arith.constant 1 : i32
        %add3A_93 = arith.addi %mul3A_59, %add3A_92 : i32
        %dma_start3A_94 = arith.constant 0 : i32
        %dma_start3A_95 = tpu.memref_slice %arg8[%add3A_93, %dma_start3A_94] : memref<25x80xi32, #tpu.memory_space<vmem>> -> memref<1x80xi32, #tpu.memory_space<vmem>>
        %dma_start3A_96 = tpu.memref_squeeze %dma_start3A_95 : memref<1x80xi32, #tpu.memory_space<vmem>> -> memref<80xi32, #tpu.memory_space<vmem>>
        %dma_start3A_97 = arith.constant 0 : i32
        %dma_start3A_98 = arith.constant 0 : i32
        %dma_start3A_99 = tpu.memref_slice %arg11[%dma_start3A_97, %dma_start3A_98] : memref<10000x128xf32, #tpu.memory_space<vmem_shared>> -> memref<10000x128xf32, #tpu.memory_space<vmem_shared>>
        tpu.enqueue_indirect_dma source(%arg10 : memref<80x128xf32, #tpu.memory_space<vmem>>) target(%dma_start3A_99 : memref<10000x128xf32, #tpu.memory_space<vmem_shared>>) offsets(%dma_start3A_96 : memref<80xi32, #tpu.memory_space<vmem>>) semaphore(%arg15 : memref<!tpu.dma_semaphore, #tpu.memory_space<semaphore_mem>>) {add = true}
        %dma_wait3A_100 = arith.constant 0 : i32
        %dma_wait3A_101 = tpu.memref_slice %arg8[%mul3A_59, %dma_wait3A_100] : memref<25x80xi32, #tpu.memory_space<vmem>> -> memref<1x80xi32, #tpu.memory_space<vmem>>
        %dma_wait3A_102 = tpu.memref_squeeze %dma_wait3A_101 : memref<1x80xi32, #tpu.memory_space<vmem>> -> memref<80xi32, #tpu.memory_space<vmem>>
        %dma_wait3A_103 = arith.constant 0 : i32
        %dma_wait3A_104 = arith.constant 0 : i32
        %dma_wait3A_105 = tpu.memref_slice %arg11[%dma_wait3A_103, %dma_wait3A_104] : memref<10000x128xf32, #tpu.memory_space<vmem_shared>> -> memref<10000x128xf32, #tpu.memory_space<vmem_shared>>
        tpu.wait_indirect_dma semaphore(%arg14 : memref<!tpu.dma_semaphore, #tpu.memory_space<semaphore_mem>>) src(%arg9 : memref<80x128xf32, #tpu.memory_space<vmem>>) dst(%dma_wait3A_105 : memref<10000x128xf32, #tpu.memory_space<vmem_shared>>)
        %add3A_106 = arith.constant 2 : i32
        %add3A_107 = arith.addi %mul3A_59, %add3A_106 : i32
        %dma_start3A_108 = arith.constant 0 : i32
        %dma_start3A_109 = tpu.memref_slice %arg7[%add3A_107, %dma_start3A_108] : memref<25x80xi32, #tpu.memory_space<vmem>> -> memref<1x80xi32, #tpu.memory_space<vmem>>
        %dma_start3A_110 = tpu.memref_squeeze %dma_start3A_109 : memref<1x80xi32, #tpu.memory_space<vmem>> -> memref<80xi32, #tpu.memory_space<vmem>>
        %dma_start3A_111 = arith.constant 0 : i32
        %dma_start3A_112 = arith.constant 0 : i32
        %dma_start3A_113 = tpu.memref_slice %arg2[%dma_start3A_111, %dma_start3A_112] : memref<10000x128xf32, #tpu.memory_space<hbm>> -> memref<10000x128xf32, #tpu.memory_space<hbm>>
        tpu.enqueue_indirect_dma source(%dma_start3A_113 : memref<10000x128xf32, #tpu.memory_space<hbm>>) target(%arg9 : memref<80x128xf32, #tpu.memory_space<vmem>>) offsets(%dma_start3A_110 : memref<80xi32, #tpu.memory_space<vmem>>) semaphore(%arg12 : memref<!tpu.dma_semaphore, #tpu.memory_space<semaphore_mem>>)
      }
      %scan3A_29 = arith.constant 12 : i32
      %dma_wait3A = arith.constant 24 : i32
      %dma_wait3A_30 = arith.constant 0 : i32
      %dma_wait3A_31 = tpu.memref_slice %arg7[%dma_wait3A, %dma_wait3A_30] : memref<25x80xi32, #tpu.memory_space<vmem>> -> memref<1x80xi32, #tpu.memory_space<vmem>>
      %dma_wait3A_32 = tpu.memref_squeeze %dma_wait3A_31 : memref<1x80xi32, #tpu.memory_space<vmem>> -> memref<80xi32, #tpu.memory_space<vmem>>
      %dma_wait3A_33 = arith.constant 0 : i32
      %dma_wait3A_34 = arith.constant 0 : i32
      %dma_wait3A_35 = tpu.memref_slice %arg2[%dma_wait3A_33, %dma_wait3A_34] : memref<10000x128xf32, #tpu.memory_space<hbm>> -> memref<10000x128xf32, #tpu.memory_space<hbm>>
      tpu.wait_indirect_dma semaphore(%arg12 : memref<!tpu.dma_semaphore, #tpu.memory_space<semaphore_mem>>) src(%dma_wait3A_35 : memref<10000x128xf32, #tpu.memory_space<hbm>>) dst(%arg9 : memref<80x128xf32, #tpu.memory_space<vmem>>)
      %dma_start3A_36 = arith.constant 24 : i32
      %dma_start3A_37 = arith.constant 0 : i32
      %dma_start3A_38 = tpu.memref_slice %arg8[%dma_start3A_36, %dma_start3A_37] : memref<25x80xi32, #tpu.memory_space<vmem>> -> memref<1x80xi32, #tpu.memory_space<vmem>>
      %dma_start3A_39 = tpu.memref_squeeze %dma_start3A_38 : memref<1x80xi32, #tpu.memory_space<vmem>> -> memref<80xi32, #tpu.memory_space<vmem>>
      %dma_start3A_40 = arith.constant 0 : i32
      %dma_start3A_41 = arith.constant 0 : i32
      %dma_start3A_42 = tpu.memref_slice %arg11[%dma_start3A_40, %dma_start3A_41] : memref<10000x128xf32, #tpu.memory_space<vmem_shared>> -> memref<10000x128xf32, #tpu.memory_space<vmem_shared>>
      tpu.enqueue_indirect_dma source(%arg9 : memref<80x128xf32, #tpu.memory_space<vmem>>) target(%dma_start3A_42 : memref<10000x128xf32, #tpu.memory_space<vmem_shared>>) offsets(%dma_start3A_39 : memref<80xi32, #tpu.memory_space<vmem>>) semaphore(%arg14 : memref<!tpu.dma_semaphore, #tpu.memory_space<semaphore_mem>>) {add = true}
      %dma_wait3A_43 = arith.constant 23 : i32
      %dma_wait3A_44 = arith.constant 0 : i32
      %dma_wait3A_45 = tpu.memref_slice %arg8[%dma_wait3A_43, %dma_wait3A_44] : memref<25x80xi32, #tpu.memory_space<vmem>> -> memref<1x80xi32, #tpu.memory_space<vmem>>
      %dma_wait3A_46 = tpu.memref_squeeze %dma_wait3A_45 : memref<1x80xi32, #tpu.memory_space<vmem>> -> memref<80xi32, #tpu.memory_space<vmem>>
      %dma_wait3A_47 = arith.constant 0 : i32
      %dma_wait3A_48 = arith.constant 0 : i32
      %dma_wait3A_49 = tpu.memref_slice %arg11[%dma_wait3A_47, %dma_wait3A_48] : memref<10000x128xf32, #tpu.memory_space<vmem_shared>> -> memref<10000x128xf32, #tpu.memory_space<vmem_shared>>
      tpu.wait_indirect_dma semaphore(%arg15 : memref<!tpu.dma_semaphore, #tpu.memory_space<semaphore_mem>>) src(%arg10 : memref<80x128xf32, #tpu.memory_space<vmem>>) dst(%dma_wait3A_49 : memref<10000x128xf32, #tpu.memory_space<vmem_shared>>)
      %dma_wait3A_50 = arith.constant 24 : i32
      %dma_wait3A_51 = arith.constant 0 : i32
      %dma_wait3A_52 = tpu.memref_slice %arg8[%dma_wait3A_50, %dma_wait3A_51] : memref<25x80xi32, #tpu.memory_space<vmem>> -> memref<1x80xi32, #tpu.memory_space<vmem>>
      %dma_wait3A_53 = tpu.memref_squeeze %dma_wait3A_52 : memref<1x80xi32, #tpu.memory_space<vmem>> -> memref<80xi32, #tpu.memory_space<vmem>>
      %dma_wait3A_54 = arith.constant 0 : i32
      %dma_wait3A_55 = arith.constant 0 : i32
      %dma_wait3A_56 = tpu.memref_slice %arg11[%dma_wait3A_54, %dma_wait3A_55] : memref<10000x128xf32, #tpu.memory_space<vmem_shared>> -> memref<10000x128xf32, #tpu.memory_space<vmem_shared>>
      tpu.wait_indirect_dma semaphore(%arg14 : memref<!tpu.dma_semaphore, #tpu.memory_space<semaphore_mem>>) src(%arg9 : memref<80x128xf32, #tpu.memory_space<vmem>>) dst(%dma_wait3A_56 : memref<10000x128xf32, #tpu.memory_space<vmem_shared>>)
    }
    %scan3A_9 = arith.constant 5 : i32
    %barrier3A_10 = arith.constant 0 : index
    tpu.barrier barrier_id(%barrier3A_10)
    %mul3A_11 = arith.constant 624 : i32
    %mul3A_12 = arith.muli %arg1, %mul3A_11 : i32
    "tpu.region"() ({
      %run_scoped3A = tpu.sem_alloc : memref<!tpu.dma_semaphore, #tpu.memory_space<semaphore_mem>>
      %dma_start3A = arith.constant 0 : i32
      %dma_start3A_18 = tpu.memref_slice %arg6[%arg0, %mul3A_12, %dma_start3A] : memref<2x10000x128xf32, #tpu.memory_space<hbm>> -> memref<1x624x128xf32, #tpu.memory_space<hbm>>
      %dma_start3A_19 = tpu.memref_squeeze %dma_start3A_18 : memref<1x624x128xf32, #tpu.memory_space<hbm>> -> memref<624x128xf32, #tpu.memory_space<hbm>>
      %dma_start3A_20 = arith.constant 0 : i32
      %dma_start3A_21 = tpu.memref_slice %arg11[%mul3A_12, %dma_start3A_20] : memref<10000x128xf32, #tpu.memory_space<vmem_shared>> -> memref<624x128xf32, #tpu.memory_space<vmem_shared>>
      tpu.enqueue_dma source(%dma_start3A_21 : memref<624x128xf32, #tpu.memory_space<vmem_shared>>) target(%dma_start3A_19 : memref<624x128xf32, #tpu.memory_space<hbm>>) target_semaphore(%run_scoped3A : memref<!tpu.dma_semaphore, #tpu.memory_space<semaphore_mem>>)
      %dma_wait3A = arith.constant 0 : i32
      %dma_wait3A_22 = tpu.memref_slice %arg6[%arg0, %mul3A_12, %dma_wait3A] : memref<2x10000x128xf32, #tpu.memory_space<hbm>> -> memref<1x624x128xf32, #tpu.memory_space<hbm>>
      %dma_wait3A_23 = tpu.memref_squeeze %dma_wait3A_22 : memref<1x624x128xf32, #tpu.memory_space<hbm>> -> memref<624x128xf32, #tpu.memory_space<hbm>>
      %dma_wait3A_24 = arith.constant 0 : i32
      %dma_wait3A_25 = tpu.memref_slice %arg11[%mul3A_12, %dma_wait3A_24] : memref<10000x128xf32, #tpu.memory_space<vmem_shared>> -> memref<624x128xf32, #tpu.memory_space<vmem_shared>>
      tpu.wait_dma2 semaphore(%run_scoped3A : memref<!tpu.dma_semaphore, #tpu.memory_space<semaphore_mem>>) src(%dma_wait3A_25 : memref<624x128xf32, #tpu.memory_space<vmem_shared>>) dst(%dma_wait3A_23 : memref<624x128xf32, #tpu.memory_space<hbm>>)
      tpu.yield
    }) : () -> ()
    %eq3A_13 = arith.constant 0 : i32
    %eq3A_14 = arith.cmpi eq, %arg1, %eq3A_13 : i32
    %convert_element_type3A_15 = arith.extui %eq3A_14 : i1 to i32
    %cond3A_16 = arith.constant 0 : i32
    %cond3A_17 = arith.cmpi ne, %convert_element_type3A_15, %cond3A_16 : i32
    scf.if %cond3A_17 {
      "tpu.region"() ({
        %run_scoped3A = tpu.sem_alloc : memref<!tpu.dma_semaphore, #tpu.memory_space<semaphore_mem>>
        %dma_start3A = arith.constant 9984 : i32
        %dma_start3A_18 = arith.constant 0 : i32
        %dma_start3A_19 = tpu.memref_slice %arg6[%arg0, %dma_start3A, %dma_start3A_18] : memref<2x10000x128xf32, #tpu.memory_space<hbm>> -> memref<1x16x128xf32, #tpu.memory_space<hbm>>
        %dma_start3A_20 = tpu.memref_squeeze %dma_start3A_19 : memref<1x16x128xf32, #tpu.memory_space<hbm>> -> memref<16x128xf32, #tpu.memory_space<hbm>>
        %dma_start3A_21 = arith.constant 9984 : i32
        %dma_start3A_22 = arith.constant 0 : i32
        %dma_start3A_23 = tpu.memref_slice %arg11[%dma_start3A_21, %dma_start3A_22] : memref<10000x128xf32, #tpu.memory_space<vmem_shared>> -> memref<16x128xf32, #tpu.memory_space<vmem_shared>>
        tpu.enqueue_dma source(%dma_start3A_23 : memref<16x128xf32, #tpu.memory_space<vmem_shared>>) target(%dma_start3A_20 : memref<16x128xf32, #tpu.memory_space<hbm>>) target_semaphore(%run_scoped3A : memref<!tpu.dma_semaphore, #tpu.memory_space<semaphore_mem>>)
        %dma_wait3A = arith.constant 9984 : i32
        %dma_wait3A_24 = arith.constant 0 : i32
        %dma_wait3A_25 = tpu.memref_slice %arg6[%arg0, %dma_wait3A, %dma_wait3A_24] : memref<2x10000x128xf32, #tpu.memory_space<hbm>> -> memref<1x16x128xf32, #tpu.memory_space<hbm>>
        %dma_wait3A_26 = tpu.memref_squeeze %dma_wait3A_25 : memref<1x16x128xf32, #tpu.memory_space<hbm>> -> memref<16x128xf32, #tpu.memory_space<hbm>>
        %dma_wait3A_27 = arith.constant 9984 : i32
        %dma_wait3A_28 = arith.constant 0 : i32
        %dma_wait3A_29 = tpu.memref_slice %arg11[%dma_wait3A_27, %dma_wait3A_28] : memref<10000x128xf32, #tpu.memory_space<vmem_shared>> -> memref<16x128xf32, #tpu.memory_space<vmem_shared>>
        tpu.wait_dma2 semaphore(%run_scoped3A : memref<!tpu.dma_semaphore, #tpu.memory_space<semaphore_mem>>) src(%dma_wait3A_29 : memref<16x128xf32, #tpu.memory_space<vmem_shared>>) dst(%dma_wait3A_26 : memref<16x128xf32, #tpu.memory_space<hbm>>)
        tpu.yield
      }) : () -> ()
    } else {
    }
    return
  }
}

#map = affine_map<(d0, d1) -> (0)>
module attributes {stable_mosaic.version = 14 : i64} {
  func.func @_deg_body(%arg0: i32, %arg1: i32, %arg2: memref<320000xi32, #tpu.memory_space<hbm>>, %arg3: memref<320000xf32, #tpu.memory_space<hbm>>, %arg4: memref<10000xi32, #tpu.memory_space<vmem>>, %arg5: memref<80128xf32, #tpu.memory_space<vmem>>) attributes {dimension_semantics = [#tpu.dimension_semantics<core_parallel>, #tpu.dimension_semantics<subcore_parallel>], iteration_bounds = array<i64: 2, 16>, scalar_prefetch = 0 : i64, scratch_operands = 2 : i64, tpu.core_type = #tpu.core_type<sc_vector_subcore>, window_params = [{transform_indices = #map}, {transform_indices = #map}]} {
    %mul3A = arith.constant 16 : i32
    %mul3A_0 = arith.muli %arg0, %mul3A : i32
    %add3A = arith.addi %mul3A_0, %arg1 : i32
    %scan3A = arith.constant 0 : i32
    %scan3A_1 = arith.constant 0 : i32
    %scan3A_2 = arith.constant 5008 : i32
    %scan3A_3 = arith.addi %scan3A_1, %scan3A_2 : i32
    %scan3A_4 = arith.constant 1 : i32
    scf.for %scan3A_32 = %scan3A_1 to %scan3A_3 step %scan3A_4  : i32 {
      %broadcast_in_dim3A_33 = arith.constant 0.000000e+00 : f32
      %broadcast_in_dim3A_34 = vector.broadcast %broadcast_in_dim3A_33 : f32 to vector<16xf32>
      %mul3A_35 = arith.constant 16 : i32
      %mul3A_36 = arith.muli %mul3A_35, %scan3A_32 : i32
      %swap3A = arith.index_cast %mul3A_36 : i32 to index
      %swap3A_37 = tpu.vector_load %arg5[%swap3A] {strides = array<i32>} : memref<80128xf32, #tpu.memory_space<vmem>>, vector<16xf32>,
      tpu.vector_store %arg5[%swap3A], %broadcast_in_dim3A_34 {strides = array<i32>} : memref<80128xf32, #tpu.memory_space<vmem>>, vector<16xf32>,
    }
    %scan3A_5 = arith.constant 5008 : i32
    %mul3A_6 = arith.constant 10000 : i32
    %mul3A_7 = arith.muli %add3A, %mul3A_6 : i32
    "tpu.region"() ({
      %run_scoped3A = tpu.sem_alloc : memref<!tpu.dma_semaphore, #tpu.memory_space<semaphore_mem>>
      %dma_start3A = tpu.memref_slice %arg2[%mul3A_7] : memref<320000xi32, #tpu.memory_space<hbm>> -> memref<10000xi32, #tpu.memory_space<hbm>>
      %dma_start3A_32 = tpu.memref_slice %arg2[%mul3A_7] : memref<320000xi32, #tpu.memory_space<hbm>> -> memref<10000xi32, #tpu.memory_space<hbm>>
      tpu.enqueue_dma source(%dma_start3A_32 : memref<10000xi32, #tpu.memory_space<hbm>>) target(%arg4 : memref<10000xi32, #tpu.memory_space<vmem>>) target_semaphore(%run_scoped3A : memref<!tpu.dma_semaphore, #tpu.memory_space<semaphore_mem>>)
      %dma_wait3A = tpu.memref_slice %arg2[%mul3A_7] : memref<320000xi32, #tpu.memory_space<hbm>> -> memref<10000xi32, #tpu.memory_space<hbm>>
      %dma_wait3A_33 = tpu.memref_slice %arg2[%mul3A_7] : memref<320000xi32, #tpu.memory_space<hbm>> -> memref<10000xi32, #tpu.memory_space<hbm>>
      tpu.wait_dma2 semaphore(%run_scoped3A : memref<!tpu.dma_semaphore, #tpu.memory_space<semaphore_mem>>) src(%dma_wait3A_33 : memref<10000xi32, #tpu.memory_space<hbm>>) dst(%arg4 : memref<10000xi32, #tpu.memory_space<vmem>>)
      tpu.yield
    }) : () -> ()
    %iota3A = tpu.iota {dimensions = array<i32: 0>} : vector<16xi32>
    %and3A = arith.constant 7 : i32
    %and3A_8 = vector.broadcast %and3A : i32 to vector<16xi32>
    %and3A_9 = arith.andi %iota3A, %and3A_8 : vector<16xi32>
    %mul3A_10 = arith.constant 10016 : i32
    %mul3A_11 = vector.broadcast %mul3A_10 : i32 to vector<16xi32>
    %mul3A_12 = arith.muli %and3A_9, %mul3A_11 : vector<16xi32>
    %lt3A = arith.constant 8 : i32
    %lt3A_13 = vector.broadcast %lt3A : i32 to vector<16xi32>
    %lt3A_14 = arith.cmpi slt, %iota3A, %lt3A_13 : vector<16xi32>
    %ge3A = arith.constant 8 : i32
    %ge3A_15 = vector.broadcast %ge3A : i32 to vector<16xi32>
    %ge3A_16 = arith.cmpi sge, %iota3A, %ge3A_15 : vector<16xi32>
    %broadcast_in_dim3A = arith.constant 1.000000e+00 : f32
    %broadcast_in_dim3A_17 = vector.broadcast %broadcast_in_dim3A : f32 to vector<16xf32>
    %scan3A_18 = arith.constant 0 : i32
    %scan3A_19 = arith.constant 0 : i32
    %scan3A_20 = arith.constant 625 : i32
    %scan3A_21 = arith.addi %scan3A_19, %scan3A_20 : i32
    %scan3A_22 = arith.constant 1 : i32
    scf.for %scan3A_32 = %scan3A_19 to %scan3A_21 step %scan3A_22  : i32 {
      %mul3A_33 = arith.constant 16 : i32
      %mul3A_34 = arith.muli %mul3A_33, %scan3A_32 : i32
      %get3A = arith.index_cast %mul3A_34 : i32 to index
      %get3A_35 = tpu.vector_load %arg4[%get3A] {strides = array<i32>} : memref<10000xi32, #tpu.memory_space<vmem>>, vector<16xi32>,
      %add3A_36 = arith.addi %get3A_35, %mul3A_12 : vector<16xi32>
      tpu.vector_store_idx %arg5[%add3A_36], %broadcast_in_dim3A_17 masked %lt3A_14 {add = true} : memref<80128xf32, #tpu.memory_space<vmem>>[vector<16xi32>], vector<16xf32>, vector<16xi1>
      tpu.vector_store_idx %arg5[%add3A_36], %broadcast_in_dim3A_17 masked %ge3A_16 {add = true} : memref<80128xf32, #tpu.memory_space<vmem>>[vector<16xi32>], vector<16xf32>, vector<16xi1>
    }
    %scan3A_23 = arith.constant 625 : i32
    %scan3A_24 = arith.constant 0 : i32
    %scan3A_25 = arith.constant 0 : i32
    %scan3A_26 = arith.constant 625 : i32
    %scan3A_27 = arith.addi %scan3A_25, %scan3A_26 : i32
    %scan3A_28 = arith.constant 1 : i32
    scf.for %scan3A_32 = %scan3A_25 to %scan3A_27 step %scan3A_28  : i32 {
      %mul3A_33 = arith.constant 16 : i32
      %mul3A_34 = arith.muli %mul3A_33, %scan3A_32 : i32
      %get3A = arith.index_cast %mul3A_34 : i32 to index
      %get3A_35 = tpu.vector_load %arg5[%get3A] {strides = array<i32>} : memref<80128xf32, #tpu.memory_space<vmem>>, vector<16xf32>,
      %mul3A_36 = arith.constant 16 : i32
      %mul3A_37 = arith.muli %mul3A_36, %scan3A_32 : i32
      %add3A_38 = arith.constant 10016 : i32
      %add3A_39 = arith.addi %add3A_38, %mul3A_37 : i32
      %get3A_40 = arith.index_cast %add3A_39 : i32 to index
      %get3A_41 = tpu.vector_load %arg5[%get3A_40] {strides = array<i32>} : memref<80128xf32, #tpu.memory_space<vmem>>, vector<16xf32>,
      %add3A_42 = arith.addf %get3A_35, %get3A_41 : vector<16xf32>
      %mul3A_43 = arith.constant 16 : i32
      %mul3A_44 = arith.muli %mul3A_43, %scan3A_32 : i32
      %add3A_45 = arith.constant 20032 : i32
      %add3A_46 = arith.addi %add3A_45, %mul3A_44 : i32
      %get3A_47 = arith.index_cast %add3A_46 : i32 to index
      %get3A_48 = tpu.vector_load %arg5[%get3A_47] {strides = array<i32>} : memref<80128xf32, #tpu.memory_space<vmem>>, vector<16xf32>,
      %add3A_49 = arith.addf %add3A_42, %get3A_48 : vector<16xf32>
      %mul3A_50 = arith.constant 16 : i32
      %mul3A_51 = arith.muli %mul3A_50, %scan3A_32 : i32
      %add3A_52 = arith.constant 30048 : i32
      %add3A_53 = arith.addi %add3A_52, %mul3A_51 : i32
      %get3A_54 = arith.index_cast %add3A_53 : i32 to index
      %get3A_55 = tpu.vector_load %arg5[%get3A_54] {strides = array<i32>} : memref<80128xf32, #tpu.memory_space<vmem>>, vector<16xf32>,
      %add3A_56 = arith.addf %add3A_49, %get3A_55 : vector<16xf32>
      %mul3A_57 = arith.constant 16 : i32
      %mul3A_58 = arith.muli %mul3A_57, %scan3A_32 : i32
      %add3A_59 = arith.constant 40064 : i32
      %add3A_60 = arith.addi %add3A_59, %mul3A_58 : i32
      %get3A_61 = arith.index_cast %add3A_60 : i32 to index
      %get3A_62 = tpu.vector_load %arg5[%get3A_61] {strides = array<i32>} : memref<80128xf32, #tpu.memory_space<vmem>>, vector<16xf32>,
      %add3A_63 = arith.addf %add3A_56, %get3A_62 : vector<16xf32>
      %mul3A_64 = arith.constant 16 : i32
      %mul3A_65 = arith.muli %mul3A_64, %scan3A_32 : i32
      %add3A_66 = arith.constant 50080 : i32
      %add3A_67 = arith.addi %add3A_66, %mul3A_65 : i32
      %get3A_68 = arith.index_cast %add3A_67 : i32 to index
      %get3A_69 = tpu.vector_load %arg5[%get3A_68] {strides = array<i32>} : memref<80128xf32, #tpu.memory_space<vmem>>, vector<16xf32>,
      %add3A_70 = arith.addf %add3A_63, %get3A_69 : vector<16xf32>
      %mul3A_71 = arith.constant 16 : i32
      %mul3A_72 = arith.muli %mul3A_71, %scan3A_32 : i32
      %add3A_73 = arith.constant 60096 : i32
      %add3A_74 = arith.addi %add3A_73, %mul3A_72 : i32
      %get3A_75 = arith.index_cast %add3A_74 : i32 to index
      %get3A_76 = tpu.vector_load %arg5[%get3A_75] {strides = array<i32>} : memref<80128xf32, #tpu.memory_space<vmem>>, vector<16xf32>,
      %add3A_77 = arith.addf %add3A_70, %get3A_76 : vector<16xf32>
      %mul3A_78 = arith.constant 16 : i32
      %mul3A_79 = arith.muli %mul3A_78, %scan3A_32 : i32
      %add3A_80 = arith.constant 70112 : i32
      %add3A_81 = arith.addi %add3A_80, %mul3A_79 : i32
      %get3A_82 = arith.index_cast %add3A_81 : i32 to index
      %get3A_83 = tpu.vector_load %arg5[%get3A_82] {strides = array<i32>} : memref<80128xf32, #tpu.memory_space<vmem>>, vector<16xf32>,
      %add3A_84 = arith.addf %add3A_77, %get3A_83 : vector<16xf32>
      %mul3A_85 = arith.constant 16 : i32
      %mul3A_86 = arith.muli %mul3A_85, %scan3A_32 : i32
      %swap3A = arith.index_cast %mul3A_86 : i32 to index
      %swap3A_87 = tpu.vector_load %arg5[%swap3A] {strides = array<i32>} : memref<80128xf32, #tpu.memory_space<vmem>>, vector<16xf32>,
      tpu.vector_store %arg5[%swap3A], %add3A_84 {strides = array<i32>} : memref<80128xf32, #tpu.memory_space<vmem>>, vector<16xf32>,
    }
    %scan3A_29 = arith.constant 625 : i32
    %mul3A_30 = arith.constant 10000 : i32
    %mul3A_31 = arith.muli %add3A, %mul3A_30 : i32
    "tpu.region"() ({
      %run_scoped3A = tpu.sem_alloc : memref<!tpu.dma_semaphore, #tpu.memory_space<semaphore_mem>>
      %dma_start3A = arith.constant 0 : i32
      %dma_start3A_32 = tpu.memref_slice %arg5[%dma_start3A] : memref<80128xf32, #tpu.memory_space<vmem>> -> memref<10000xf32, #tpu.memory_space<vmem>>
      %dma_start3A_33 = tpu.memref_slice %arg3[%mul3A_31] : memref<320000xf32, #tpu.memory_space<hbm>> -> memref<10000xf32, #tpu.memory_space<hbm>>
      %dma_start3A_34 = tpu.memref_slice %arg3[%mul3A_31] : memref<320000xf32, #tpu.memory_space<hbm>> -> memref<10000xf32, #tpu.memory_space<hbm>>
      %dma_start3A_35 = arith.constant 0 : i32
      %dma_start3A_36 = tpu.memref_slice %arg5[%dma_start3A_35] : memref<80128xf32, #tpu.memory_space<vmem>> -> memref<10000xf32, #tpu.memory_space<vmem>>
      tpu.enqueue_dma source(%dma_start3A_36 : memref<10000xf32, #tpu.memory_space<vmem>>) target(%dma_start3A_34 : memref<10000xf32, #tpu.memory_space<hbm>>) target_semaphore(%run_scoped3A : memref<!tpu.dma_semaphore, #tpu.memory_space<semaphore_mem>>)
      %dma_wait3A = arith.constant 0 : i32
      %dma_wait3A_37 = tpu.memref_slice %arg5[%dma_wait3A] : memref<80128xf32, #tpu.memory_space<vmem>> -> memref<10000xf32, #tpu.memory_space<vmem>>
      %dma_wait3A_38 = tpu.memref_slice %arg3[%mul3A_31] : memref<320000xf32, #tpu.memory_space<hbm>> -> memref<10000xf32, #tpu.memory_space<hbm>>
      %dma_wait3A_39 = tpu.memref_slice %arg3[%mul3A_31] : memref<320000xf32, #tpu.memory_space<hbm>> -> memref<10000xf32, #tpu.memory_space<hbm>>
      %dma_wait3A_40 = arith.constant 0 : i32
      %dma_wait3A_41 = tpu.memref_slice %arg5[%dma_wait3A_40] : memref<80128xf32, #tpu.memory_space<vmem>> -> memref<10000xf32, #tpu.memory_space<vmem>>
      tpu.wait_dma2 semaphore(%run_scoped3A : memref<!tpu.dma_semaphore, #tpu.memory_space<semaphore_mem>>) src(%dma_wait3A_41 : memref<10000xf32, #tpu.memory_space<vmem>>) dst(%dma_wait3A_39 : memref<10000xf32, #tpu.memory_space<hbm>>)
      tpu.yield
    }) : () -> ()
    return
  }
}

#map = affine_map<(d0, d1) -> (0, 0)>
#map1 = affine_map<(d0, d1) -> (0, 0, 0, 0)>
#map2 = affine_map<(d0, d1) -> (0, 0, 0)>
module attributes {stable_mosaic.version = 14 : i64} {
  func.func @_seg_body(%arg0: i32, %arg1: i32, %arg2: memref<10000x128xf32, #tpu.memory_space<hbm>>, %arg3: memref<32x5x25x80xi32, #tpu.memory_space<hbm>>, %arg4: memref<32x5x25x80xi32, #tpu.memory_space<hbm>>, %arg5: memref<10000x128xf32, #tpu.memory_space<hbm>>, %arg6: memref<2x10000x128xf32, #tpu.memory_space<hbm>>, %arg7: memref<25x80xi32, #tpu.memory_space<vmem>>, %arg8: memref<25x80xi32, #tpu.memory_space<vmem>>, %arg9: memref<80x128xf32, #tpu.memory_space<vmem>>, %arg10: memref<80x128xf32, #tpu.memory_space<vmem>>, %arg11: memref<10000x128xf32, #tpu.memory_space<vmem_shared>>, %arg12: memref<!tpu.dma_semaphore, #tpu.memory_space<semaphore_mem>>, %arg13: memref<!tpu.dma_semaphore, #tpu.memory_space<semaphore_mem>>, %arg14: memref<!tpu.dma_semaphore, #tpu.memory_space<semaphore_mem>>, %arg15: memref<!tpu.dma_semaphore, #tpu.memory_space<semaphore_mem>>) attributes {dimension_semantics = [#tpu.dimension_semantics<core_parallel>, #tpu.dimension_semantics<subcore_parallel>], iteration_bounds = array<i64: 2, 16>, scalar_prefetch = 0 : i64, scratch_operands = 9 : i64, tpu.core_type = #tpu.core_type<sc_vector_subcore>, window_params = [{transform_indices = #map}, {transform_indices = #map1}, {transform_indices = #map1}, {transform_indices = #map}, {transform_indices = #map2}]} {
    %mul3A = arith.constant 16 : i32
    %mul3A_0 = arith.muli %arg0, %mul3A : i32
    %add3A = arith.addi %mul3A_0, %arg1 : i32
    %mul3A_1 = arith.constant 624 : i32
    %mul3A_2 = arith.muli %arg1, %mul3A_1 : i32
    "tpu.region"() ({
      %run_scoped3A = tpu.sem_alloc : memref<!tpu.dma_semaphore, #tpu.memory_space<semaphore_mem>>
      %dma_start3A = arith.constant 0 : i32
      %dma_start3A_18 = tpu.memref_slice %arg11[%mul3A_2, %dma_start3A] : memref<10000x128xf32, #tpu.memory_space<vmem_shared>> -> memref<624x128xf32, #tpu.memory_space<vmem_shared>>
      %dma_start3A_19 = arith.constant 0 : i32
      %dma_start3A_20 = tpu.memref_slice %arg5[%mul3A_2, %dma_start3A_19] : memref<10000x128xf32, #tpu.memory_space<hbm>> -> memref<624x128xf32, #tpu.memory_space<hbm>>
      tpu.enqueue_dma source(%dma_start3A_20 : memref<624x128xf32, #tpu.memory_space<hbm>>) target(%dma_start3A_18 : memref<624x128xf32, #tpu.memory_space<vmem_shared>>) target_semaphore(%run_scoped3A : memref<!tpu.dma_semaphore, #tpu.memory_space<semaphore_mem>>)
      %dma_wait3A = arith.constant 0 : i32
      %dma_wait3A_21 = tpu.memref_slice %arg11[%mul3A_2, %dma_wait3A] : memref<10000x128xf32, #tpu.memory_space<vmem_shared>> -> memref<624x128xf32, #tpu.memory_space<vmem_shared>>
      %dma_wait3A_22 = arith.constant 0 : i32
      %dma_wait3A_23 = tpu.memref_slice %arg5[%mul3A_2, %dma_wait3A_22] : memref<10000x128xf32, #tpu.memory_space<hbm>> -> memref<624x128xf32, #tpu.memory_space<hbm>>
      tpu.wait_dma2 semaphore(%run_scoped3A : memref<!tpu.dma_semaphore, #tpu.memory_space<semaphore_mem>>) src(%dma_wait3A_23 : memref<624x128xf32, #tpu.memory_space<hbm>>) dst(%dma_wait3A_21 : memref<624x128xf32, #tpu.memory_space<vmem_shared>>)
      tpu.yield
    }) : () -> ()
    %eq3A = arith.constant 0 : i32
    %eq3A_3 = arith.cmpi eq, %arg1, %eq3A : i32
    %convert_element_type3A = arith.extui %eq3A_3 : i1 to i32
    %cond3A = arith.constant 0 : i32
    %cond3A_4 = arith.cmpi ne, %convert_element_type3A, %cond3A : i32
    scf.if %cond3A_4 {
      "tpu.region"() ({
        %run_scoped3A = tpu.sem_alloc : memref<!tpu.dma_semaphore, #tpu.memory_space<semaphore_mem>>
        %dma_start3A = arith.constant 9984 : i32
        %dma_start3A_18 = arith.constant 0 : i32
        %dma_start3A_19 = tpu.memref_slice %arg11[%dma_start3A, %dma_start3A_18] : memref<10000x128xf32, #tpu.memory_space<vmem_shared>> -> memref<16x128xf32, #tpu.memory_space<vmem_shared>>
        %dma_start3A_20 = arith.constant 9984 : i32
        %dma_start3A_21 = arith.constant 0 : i32
        %dma_start3A_22 = tpu.memref_slice %arg5[%dma_start3A_20, %dma_start3A_21] : memref<10000x128xf32, #tpu.memory_space<hbm>> -> memref<16x128xf32, #tpu.memory_space<hbm>>
        tpu.enqueue_dma source(%dma_start3A_22 : memref<16x128xf32, #tpu.memory_space<hbm>>) target(%dma_start3A_19 : memref<16x128xf32, #tpu.memory_space<vmem_shared>>) target_semaphore(%run_scoped3A : memref<!tpu.dma_semaphore, #tpu.memory_space<semaphore_mem>>)
        %dma_wait3A = arith.constant 9984 : i32
        %dma_wait3A_23 = arith.constant 0 : i32
        %dma_wait3A_24 = tpu.memref_slice %arg11[%dma_wait3A, %dma_wait3A_23] : memref<10000x128xf32, #tpu.memory_space<vmem_shared>> -> memref<16x128xf32, #tpu.memory_space<vmem_shared>>
        %dma_wait3A_25 = arith.constant 9984 : i32
        %dma_wait3A_26 = arith.constant 0 : i32
        %dma_wait3A_27 = tpu.memref_slice %arg5[%dma_wait3A_25, %dma_wait3A_26] : memref<10000x128xf32, #tpu.memory_space<hbm>> -> memref<16x128xf32, #tpu.memory_space<hbm>>
        tpu.wait_dma2 semaphore(%run_scoped3A : memref<!tpu.dma_semaphore, #tpu.memory_space<semaphore_mem>>) src(%dma_wait3A_27 : memref<16x128xf32, #tpu.memory_space<hbm>>) dst(%dma_wait3A_24 : memref<16x128xf32, #tpu.memory_space<vmem_shared>>)
        tpu.yield
      }) : () -> ()
    } else {
    }
    %barrier3A = arith.constant 0 : index
    tpu.barrier barrier_id(%barrier3A)
    %scan3A = arith.constant 0 : i32
    %scan3A_5 = arith.constant 0 : i32
    %scan3A_6 = arith.constant 5 : i32
    %scan3A_7 = arith.addi %scan3A_5, %scan3A_6 : i32
    %scan3A_8 = arith.constant 1 : i32
    scf.for %scan3A_18 = %scan3A_5 to %scan3A_7 step %scan3A_8  : i32 {
      "tpu.region"() ({
        %run_scoped3A = tpu.sem_alloc : memref<!tpu.dma_semaphore, #tpu.memory_space<semaphore_mem>>
        %dma_start3A_57 = arith.constant 0 : i32
        %dma_start3A_58 = arith.constant 0 : i32
        %dma_start3A_59 = tpu.memref_slice %arg3[%add3A, %scan3A_18, %dma_start3A_57, %dma_start3A_58] : memref<32x5x25x80xi32, #tpu.memory_space<hbm>> -> memref<1x1x25x80xi32, #tpu.memory_space<hbm>>
        %dma_start3A_60 = tpu.memref_squeeze %dma_start3A_59 : memref<1x1x25x80xi32, #tpu.memory_space<hbm>> -> memref<25x80xi32, #tpu.memory_space<hbm>>
        %dma_start3A_61 = arith.constant 0 : i32
        %dma_start3A_62 = arith.constant 0 : i32
        %dma_start3A_63 = tpu.memref_slice %arg3[%add3A, %scan3A_18, %dma_start3A_61, %dma_start3A_62] : memref<32x5x25x80xi32, #tpu.memory_space<hbm>> -> memref<1x1x25x80xi32, #tpu.memory_space<hbm>>
        %dma_start3A_64 = tpu.memref_squeeze %dma_start3A_63 : memref<1x1x25x80xi32, #tpu.memory_space<hbm>> -> memref<25x80xi32, #tpu.memory_space<hbm>>
        tpu.enqueue_dma source(%dma_start3A_64 : memref<25x80xi32, #tpu.memory_space<hbm>>) target(%arg7 : memref<25x80xi32, #tpu.memory_space<vmem>>) target_semaphore(%run_scoped3A : memref<!tpu.dma_semaphore, #tpu.memory_space<semaphore_mem>>)
        %dma_wait3A_65 = arith.constant 0 : i32
        %dma_wait3A_66 = arith.constant 0 : i32
        %dma_wait3A_67 = tpu.memref_slice %arg3[%add3A, %scan3A_18, %dma_wait3A_65, %dma_wait3A_66] : memref<32x5x25x80xi32, #tpu.memory_space<hbm>> -> memref<1x1x25x80xi32, #tpu.memory_space<hbm>>
        %dma_wait3A_68 = tpu.memref_squeeze %dma_wait3A_67 : memref<1x1x25x80xi32, #tpu.memory_space<hbm>> -> memref<25x80xi32, #tpu.memory_space<hbm>>
        %dma_wait3A_69 = arith.constant 0 : i32
        %dma_wait3A_70 = arith.constant 0 : i32
        %dma_wait3A_71 = tpu.memref_slice %arg3[%add3A, %scan3A_18, %dma_wait3A_69, %dma_wait3A_70] : memref<32x5x25x80xi32, #tpu.memory_space<hbm>> -> memref<1x1x25x80xi32, #tpu.memory_space<hbm>>
        %dma_wait3A_72 = tpu.memref_squeeze %dma_wait3A_71 : memref<1x1x25x80xi32, #tpu.memory_space<hbm>> -> memref<25x80xi32, #tpu.memory_space<hbm>>
        tpu.wait_dma2 semaphore(%run_scoped3A : memref<!tpu.dma_semaphore, #tpu.memory_space<semaphore_mem>>) src(%dma_wait3A_72 : memref<25x80xi32, #tpu.memory_space<hbm>>) dst(%arg7 : memref<25x80xi32, #tpu.memory_space<vmem>>)
        tpu.yield
      }) : () -> ()
      "tpu.region"() ({
        %run_scoped3A = tpu.sem_alloc : memref<!tpu.dma_semaphore, #tpu.memory_space<semaphore_mem>>
        %dma_start3A_57 = arith.constant 0 : i32
        %dma_start3A_58 = arith.constant 0 : i32
        %dma_start3A_59 = tpu.memref_slice %arg4[%add3A, %scan3A_18, %dma_start3A_57, %dma_start3A_58] : memref<32x5x25x80xi32, #tpu.memory_space<hbm>> -> memref<1x1x25x80xi32, #tpu.memory_space<hbm>>
        %dma_start3A_60 = tpu.memref_squeeze %dma_start3A_59 : memref<1x1x25x80xi32, #tpu.memory_space<hbm>> -> memref<25x80xi32, #tpu.memory_space<hbm>>
        %dma_start3A_61 = arith.constant 0 : i32
        %dma_start3A_62 = arith.constant 0 : i32
        %dma_start3A_63 = tpu.memref_slice %arg4[%add3A, %scan3A_18, %dma_start3A_61, %dma_start3A_62] : memref<32x5x25x80xi32, #tpu.memory_space<hbm>> -> memref<1x1x25x80xi32, #tpu.memory_space<hbm>>
        %dma_start3A_64 = tpu.memref_squeeze %dma_start3A_63 : memref<1x1x25x80xi32, #tpu.memory_space<hbm>> -> memref<25x80xi32, #tpu.memory_space<hbm>>
        tpu.enqueue_dma source(%dma_start3A_64 : memref<25x80xi32, #tpu.memory_space<hbm>>) target(%arg8 : memref<25x80xi32, #tpu.memory_space<vmem>>) target_semaphore(%run_scoped3A : memref<!tpu.dma_semaphore, #tpu.memory_space<semaphore_mem>>)
        %dma_wait3A_65 = arith.constant 0 : i32
        %dma_wait3A_66 = arith.constant 0 : i32
        %dma_wait3A_67 = tpu.memref_slice %arg4[%add3A, %scan3A_18, %dma_wait3A_65, %dma_wait3A_66] : memref<32x5x25x80xi32, #tpu.memory_space<hbm>> -> memref<1x1x25x80xi32, #tpu.memory_space<hbm>>
        %dma_wait3A_68 = tpu.memref_squeeze %dma_wait3A_67 : memref<1x1x25x80xi32, #tpu.memory_space<hbm>> -> memref<25x80xi32, #tpu.memory_space<hbm>>
        %dma_wait3A_69 = arith.constant 0 : i32
        %dma_wait3A_70 = arith.constant 0 : i32
        %dma_wait3A_71 = tpu.memref_slice %arg4[%add3A, %scan3A_18, %dma_wait3A_69, %dma_wait3A_70] : memref<32x5x25x80xi32, #tpu.memory_space<hbm>> -> memref<1x1x25x80xi32, #tpu.memory_space<hbm>>
        %dma_wait3A_72 = tpu.memref_squeeze %dma_wait3A_71 : memref<1x1x25x80xi32, #tpu.memory_space<hbm>> -> memref<25x80xi32, #tpu.memory_space<hbm>>
        tpu.wait_dma2 semaphore(%run_scoped3A : memref<!tpu.dma_semaphore, #tpu.memory_space<semaphore_mem>>) src(%dma_wait3A_72 : memref<25x80xi32, #tpu.memory_space<hbm>>) dst(%arg8 : memref<25x80xi32, #tpu.memory_space<vmem>>)
        tpu.yield
      }) : () -> ()
      %dma_start3A = arith.constant 0 : i32
      %dma_start3A_19 = arith.constant 0 : i32
      %dma_start3A_20 = tpu.memref_slice %arg7[%dma_start3A, %dma_start3A_19] : memref<25x80xi32, #tpu.memory_space<vmem>> -> memref<1x80xi32, #tpu.memory_space<vmem>>
      %dma_start3A_21 = tpu.memref_squeeze %dma_start3A_20 : memref<1x80xi32, #tpu.memory_space<vmem>> -> memref<80xi32, #tpu.memory_space<vmem>>
      %dma_start3A_22 = arith.constant 0 : i32
      %dma_start3A_23 = arith.constant 0 : i32
      %dma_start3A_24 = tpu.memref_slice %arg2[%dma_start3A_22, %dma_start3A_23] : memref<10000x128xf32, #tpu.memory_space<hbm>> -> memref<10000x128xf32, #tpu.memory_space<hbm>>
      tpu.enqueue_indirect_dma source(%dma_start3A_24 : memref<10000x128xf32, #tpu.memory_space<hbm>>) target(%arg9 : memref<80x128xf32, #tpu.memory_space<vmem>>) offsets(%dma_start3A_21 : memref<80xi32, #tpu.memory_space<vmem>>) semaphore(%arg12 : memref<!tpu.dma_semaphore, #tpu.memory_space<semaphore_mem>>)
      %scan3A_25 = arith.constant 0 : i32
      %scan3A_26 = arith.constant 12 : i32
      %scan3A_27 = arith.addi %scan3A_25, %scan3A_26 : i32
      %scan3A_28 = arith.constant 1 : i32
      scf.for %scan3A_57 = %scan3A_25 to %scan3A_27 step %scan3A_28  : i32 {
        %mul3A_58 = arith.constant 2 : i32
        %mul3A_59 = arith.muli %mul3A_58, %scan3A_57 : i32
        %dma_wait3A_60 = arith.constant 0 : i32
        %dma_wait3A_61 = tpu.memref_slice %arg7[%mul3A_59, %dma_wait3A_60] : memref<25x80xi32, #tpu.memory_space<vmem>> -> memref<1x80xi32, #tpu.memory_space<vmem>>
        %dma_wait3A_62 = tpu.memref_squeeze %dma_wait3A_61 : memref<1x80xi32, #tpu.memory_space<vmem>> -> memref<80xi32, #tpu.memory_space<vmem>>
        %dma_wait3A_63 = arith.constant 0 : i32
        %dma_wait3A_64 = arith.constant 0 : i32
        %dma_wait3A_65 = tpu.memref_slice %arg2[%dma_wait3A_63, %dma_wait3A_64] : memref<10000x128xf32, #tpu.memory_space<hbm>> -> memref<10000x128xf32, #tpu.memory_space<hbm>>
        tpu.wait_indirect_dma semaphore(%arg12 : memref<!tpu.dma_semaphore, #tpu.memory_space<semaphore_mem>>) src(%dma_wait3A_65 : memref<10000x128xf32, #tpu.memory_space<hbm>>) dst(%arg9 : memref<80x128xf32, #tpu.memory_space<vmem>>)
        %dma_start3A_66 = arith.constant 0 : i32
        %dma_start3A_67 = tpu.memref_slice %arg8[%mul3A_59, %dma_start3A_66] : memref<25x80xi32, #tpu.memory_space<vmem>> -> memref<1x80xi32, #tpu.memory_space<vmem>>
        %dma_start3A_68 = tpu.memref_squeeze %dma_start3A_67 : memref<1x80xi32, #tpu.memory_space<vmem>> -> memref<80xi32, #tpu.memory_space<vmem>>
        %dma_start3A_69 = arith.constant 0 : i32
        %dma_start3A_70 = arith.constant 0 : i32
        %dma_start3A_71 = tpu.memref_slice %arg11[%dma_start3A_69, %dma_start3A_70] : memref<10000x128xf32, #tpu.memory_space<vmem_shared>> -> memref<10000x128xf32, #tpu.memory_space<vmem_shared>>
        tpu.enqueue_indirect_dma source(%arg9 : memref<80x128xf32, #tpu.memory_space<vmem>>) target(%dma_start3A_71 : memref<10000x128xf32, #tpu.memory_space<vmem_shared>>) offsets(%dma_start3A_68 : memref<80xi32, #tpu.memory_space<vmem>>) semaphore(%arg14 : memref<!tpu.dma_semaphore, #tpu.memory_space<semaphore_mem>>) {add = true}
        %gt3A = arith.constant 0 : i32
        %gt3A_72 = arith.cmpi sgt, %scan3A_57, %gt3A : i32
        %convert_element_type3A_73 = arith.extui %gt3A_72 : i1 to i32
        %cond3A_74 = arith.constant 0 : i32
        %cond3A_75 = arith.cmpi ne, %convert_element_type3A_73, %cond3A_74 : i32
        scf.if %cond3A_75 {
          %sub3A = arith.constant 1 : i32
          %sub3A_114 = arith.subi %mul3A_59, %sub3A : i32
          %dma_wait3A_115 = arith.constant 0 : i32
          %dma_wait3A_116 = tpu.memref_slice %arg8[%sub3A_114, %dma_wait3A_115] : memref<25x80xi32, #tpu.memory_space<vmem>> -> memref<1x80xi32, #tpu.memory_space<vmem>>
          %dma_wait3A_117 = tpu.memref_squeeze %dma_wait3A_116 : memref<1x80xi32, #tpu.memory_space<vmem>> -> memref<80xi32, #tpu.memory_space<vmem>>
          %dma_wait3A_118 = arith.constant 0 : i32
          %dma_wait3A_119 = arith.constant 0 : i32
          %dma_wait3A_120 = tpu.memref_slice %arg11[%dma_wait3A_118, %dma_wait3A_119] : memref<10000x128xf32, #tpu.memory_space<vmem_shared>> -> memref<10000x128xf32, #tpu.memory_space<vmem_shared>>
          tpu.wait_indirect_dma semaphore(%arg15 : memref<!tpu.dma_semaphore, #tpu.memory_space<semaphore_mem>>) src(%arg10 : memref<80x128xf32, #tpu.memory_space<vmem>>) dst(%dma_wait3A_120 : memref<10000x128xf32, #tpu.memory_space<vmem_shared>>)
        } else {
        }
        %add3A_76 = arith.constant 1 : i32
        %add3A_77 = arith.addi %mul3A_59, %add3A_76 : i32
        %dma_start3A_78 = arith.constant 0 : i32
        %dma_start3A_79 = tpu.memref_slice %arg7[%add3A_77, %dma_start3A_78] : memref<25x80xi32, #tpu.memory_space<vmem>> -> memref<1x80xi32, #tpu.memory_space<vmem>>
        %dma_start3A_80 = tpu.memref_squeeze %dma_start3A_79 : memref<1x80xi32, #tpu.memory_space<vmem>> -> memref<80xi32, #tpu.memory_space<vmem>>
        %dma_start3A_81 = arith.constant 0 : i32
        %dma_start3A_82 = arith.constant 0 : i32
        %dma_start3A_83 = tpu.memref_slice %arg2[%dma_start3A_81, %dma_start3A_82] : memref<10000x128xf32, #tpu.memory_space<hbm>> -> memref<10000x128xf32, #tpu.memory_space<hbm>>
        tpu.enqueue_indirect_dma source(%dma_start3A_83 : memref<10000x128xf32, #tpu.memory_space<hbm>>) target(%arg10 : memref<80x128xf32, #tpu.memory_space<vmem>>) offsets(%dma_start3A_80 : memref<80xi32, #tpu.memory_space<vmem>>) semaphore(%arg13 : memref<!tpu.dma_semaphore, #tpu.memory_space<semaphore_mem>>)
        %add3A_84 = arith.constant 1 : i32
        %add3A_85 = arith.addi %mul3A_59, %add3A_84 : i32
        %dma_wait3A_86 = arith.constant 0 : i32
        %dma_wait3A_87 = tpu.memref_slice %arg7[%add3A_85, %dma_wait3A_86] : memref<25x80xi32, #tpu.memory_space<vmem>> -> memref<1x80xi32, #tpu.memory_space<vmem>>
        %dma_wait3A_88 = tpu.memref_squeeze %dma_wait3A_87 : memref<1x80xi32, #tpu.memory_space<vmem>> -> memref<80xi32, #tpu.memory_space<vmem>>
        %dma_wait3A_89 = arith.constant 0 : i32
        %dma_wait3A_90 = arith.constant 0 : i32
        %dma_wait3A_91 = tpu.memref_slice %arg2[%dma_wait3A_89, %dma_wait3A_90] : memref<10000x128xf32, #tpu.memory_space<hbm>> -> memref<10000x128xf32, #tpu.memory_space<hbm>>
        tpu.wait_indirect_dma semaphore(%arg13 : memref<!tpu.dma_semaphore, #tpu.memory_space<semaphore_mem>>) src(%dma_wait3A_91 : memref<10000x128xf32, #tpu.memory_space<hbm>>) dst(%arg10 : memref<80x128xf32, #tpu.memory_space<vmem>>)
        %add3A_92 = arith.constant 1 : i32
        %add3A_93 = arith.addi %mul3A_59, %add3A_92 : i32
        %dma_start3A_94 = arith.constant 0 : i32
        %dma_start3A_95 = tpu.memref_slice %arg8[%add3A_93, %dma_start3A_94] : memref<25x80xi32, #tpu.memory_space<vmem>> -> memref<1x80xi32, #tpu.memory_space<vmem>>
        %dma_start3A_96 = tpu.memref_squeeze %dma_start3A_95 : memref<1x80xi32, #tpu.memory_space<vmem>> -> memref<80xi32, #tpu.memory_space<vmem>>
        %dma_start3A_97 = arith.constant 0 : i32
        %dma_start3A_98 = arith.constant 0 : i32
        %dma_start3A_99 = tpu.memref_slice %arg11[%dma_start3A_97, %dma_start3A_98] : memref<10000x128xf32, #tpu.memory_space<vmem_shared>> -> memref<10000x128xf32, #tpu.memory_space<vmem_shared>>
        tpu.enqueue_indirect_dma source(%arg10 : memref<80x128xf32, #tpu.memory_space<vmem>>) target(%dma_start3A_99 : memref<10000x128xf32, #tpu.memory_space<vmem_shared>>) offsets(%dma_start3A_96 : memref<80xi32, #tpu.memory_space<vmem>>) semaphore(%arg15 : memref<!tpu.dma_semaphore, #tpu.memory_space<semaphore_mem>>) {add = true}
        %dma_wait3A_100 = arith.constant 0 : i32
        %dma_wait3A_101 = tpu.memref_slice %arg8[%mul3A_59, %dma_wait3A_100] : memref<25x80xi32, #tpu.memory_space<vmem>> -> memref<1x80xi32, #tpu.memory_space<vmem>>
        %dma_wait3A_102 = tpu.memref_squeeze %dma_wait3A_101 : memref<1x80xi32, #tpu.memory_space<vmem>> -> memref<80xi32, #tpu.memory_space<vmem>>
        %dma_wait3A_103 = arith.constant 0 : i32
        %dma_wait3A_104 = arith.constant 0 : i32
        %dma_wait3A_105 = tpu.memref_slice %arg11[%dma_wait3A_103, %dma_wait3A_104] : memref<10000x128xf32, #tpu.memory_space<vmem_shared>> -> memref<10000x128xf32, #tpu.memory_space<vmem_shared>>
        tpu.wait_indirect_dma semaphore(%arg14 : memref<!tpu.dma_semaphore, #tpu.memory_space<semaphore_mem>>) src(%arg9 : memref<80x128xf32, #tpu.memory_space<vmem>>) dst(%dma_wait3A_105 : memref<10000x128xf32, #tpu.memory_space<vmem_shared>>)
        %add3A_106 = arith.constant 2 : i32
        %add3A_107 = arith.addi %mul3A_59, %add3A_106 : i32
        %dma_start3A_108 = arith.constant 0 : i32
        %dma_start3A_109 = tpu.memref_slice %arg7[%add3A_107, %dma_start3A_108] : memref<25x80xi32, #tpu.memory_space<vmem>> -> memref<1x80xi32, #tpu.memory_space<vmem>>
        %dma_start3A_110 = tpu.memref_squeeze %dma_start3A_109 : memref<1x80xi32, #tpu.memory_space<vmem>> -> memref<80xi32, #tpu.memory_space<vmem>>
        %dma_start3A_111 = arith.constant 0 : i32
        %dma_start3A_112 = arith.constant 0 : i32
        %dma_start3A_113 = tpu.memref_slice %arg2[%dma_start3A_111, %dma_start3A_112] : memref<10000x128xf32, #tpu.memory_space<hbm>> -> memref<10000x128xf32, #tpu.memory_space<hbm>>
        tpu.enqueue_indirect_dma source(%dma_start3A_113 : memref<10000x128xf32, #tpu.memory_space<hbm>>) target(%arg9 : memref<80x128xf32, #tpu.memory_space<vmem>>) offsets(%dma_start3A_110 : memref<80xi32, #tpu.memory_space<vmem>>) semaphore(%arg12 : memref<!tpu.dma_semaphore, #tpu.memory_space<semaphore_mem>>)
      }
      %scan3A_29 = arith.constant 12 : i32
      %dma_wait3A = arith.constant 24 : i32
      %dma_wait3A_30 = arith.constant 0 : i32
      %dma_wait3A_31 = tpu.memref_slice %arg7[%dma_wait3A, %dma_wait3A_30] : memref<25x80xi32, #tpu.memory_space<vmem>> -> memref<1x80xi32, #tpu.memory_space<vmem>>
      %dma_wait3A_32 = tpu.memref_squeeze %dma_wait3A_31 : memref<1x80xi32, #tpu.memory_space<vmem>> -> memref<80xi32, #tpu.memory_space<vmem>>
      %dma_wait3A_33 = arith.constant 0 : i32
      %dma_wait3A_34 = arith.constant 0 : i32
      %dma_wait3A_35 = tpu.memref_slice %arg2[%dma_wait3A_33, %dma_wait3A_34] : memref<10000x128xf32, #tpu.memory_space<hbm>> -> memref<10000x128xf32, #tpu.memory_space<hbm>>
      tpu.wait_indirect_dma semaphore(%arg12 : memref<!tpu.dma_semaphore, #tpu.memory_space<semaphore_mem>>) src(%dma_wait3A_35 : memref<10000x128xf32, #tpu.memory_space<hbm>>) dst(%arg9 : memref<80x128xf32, #tpu.memory_space<vmem>>)
      %dma_start3A_36 = arith.constant 24 : i32
      %dma_start3A_37 = arith.constant 0 : i32
      %dma_start3A_38 = tpu.memref_slice %arg8[%dma_start3A_36, %dma_start3A_37] : memref<25x80xi32, #tpu.memory_space<vmem>> -> memref<1x80xi32, #tpu.memory_space<vmem>>
      %dma_start3A_39 = tpu.memref_squeeze %dma_start3A_38 : memref<1x80xi32, #tpu.memory_space<vmem>> -> memref<80xi32, #tpu.memory_space<vmem>>
      %dma_start3A_40 = arith.constant 0 : i32
      %dma_start3A_41 = arith.constant 0 : i32
      %dma_start3A_42 = tpu.memref_slice %arg11[%dma_start3A_40, %dma_start3A_41] : memref<10000x128xf32, #tpu.memory_space<vmem_shared>> -> memref<10000x128xf32, #tpu.memory_space<vmem_shared>>
      tpu.enqueue_indirect_dma source(%arg9 : memref<80x128xf32, #tpu.memory_space<vmem>>) target(%dma_start3A_42 : memref<10000x128xf32, #tpu.memory_space<vmem_shared>>) offsets(%dma_start3A_39 : memref<80xi32, #tpu.memory_space<vmem>>) semaphore(%arg14 : memref<!tpu.dma_semaphore, #tpu.memory_space<semaphore_mem>>) {add = true}
      %dma_wait3A_43 = arith.constant 23 : i32
      %dma_wait3A_44 = arith.constant 0 : i32
      %dma_wait3A_45 = tpu.memref_slice %arg8[%dma_wait3A_43, %dma_wait3A_44] : memref<25x80xi32, #tpu.memory_space<vmem>> -> memref<1x80xi32, #tpu.memory_space<vmem>>
      %dma_wait3A_46 = tpu.memref_squeeze %dma_wait3A_45 : memref<1x80xi32, #tpu.memory_space<vmem>> -> memref<80xi32, #tpu.memory_space<vmem>>
      %dma_wait3A_47 = arith.constant 0 : i32
      %dma_wait3A_48 = arith.constant 0 : i32
      %dma_wait3A_49 = tpu.memref_slice %arg11[%dma_wait3A_47, %dma_wait3A_48] : memref<10000x128xf32, #tpu.memory_space<vmem_shared>> -> memref<10000x128xf32, #tpu.memory_space<vmem_shared>>
      tpu.wait_indirect_dma semaphore(%arg15 : memref<!tpu.dma_semaphore, #tpu.memory_space<semaphore_mem>>) src(%arg10 : memref<80x128xf32, #tpu.memory_space<vmem>>) dst(%dma_wait3A_49 : memref<10000x128xf32, #tpu.memory_space<vmem_shared>>)
      %dma_wait3A_50 = arith.constant 24 : i32
      %dma_wait3A_51 = arith.constant 0 : i32
      %dma_wait3A_52 = tpu.memref_slice %arg8[%dma_wait3A_50, %dma_wait3A_51] : memref<25x80xi32, #tpu.memory_space<vmem>> -> memref<1x80xi32, #tpu.memory_space<vmem>>
      %dma_wait3A_53 = tpu.memref_squeeze %dma_wait3A_52 : memref<1x80xi32, #tpu.memory_space<vmem>> -> memref<80xi32, #tpu.memory_space<vmem>>
      %dma_wait3A_54 = arith.constant 0 : i32
      %dma_wait3A_55 = arith.constant 0 : i32
      %dma_wait3A_56 = tpu.memref_slice %arg11[%dma_wait3A_54, %dma_wait3A_55] : memref<10000x128xf32, #tpu.memory_space<vmem_shared>> -> memref<10000x128xf32, #tpu.memory_space<vmem_shared>>
      tpu.wait_indirect_dma semaphore(%arg14 : memref<!tpu.dma_semaphore, #tpu.memory_space<semaphore_mem>>) src(%arg9 : memref<80x128xf32, #tpu.memory_space<vmem>>) dst(%dma_wait3A_56 : memref<10000x128xf32, #tpu.memory_space<vmem_shared>>)
    }
    %scan3A_9 = arith.constant 5 : i32
    %barrier3A_10 = arith.constant 0 : index
    tpu.barrier barrier_id(%barrier3A_10)
    %mul3A_11 = arith.constant 624 : i32
    %mul3A_12 = arith.muli %arg1, %mul3A_11 : i32
    "tpu.region"() ({
      %run_scoped3A = tpu.sem_alloc : memref<!tpu.dma_semaphore, #tpu.memory_space<semaphore_mem>>
      %dma_start3A = arith.constant 0 : i32
      %dma_start3A_18 = tpu.memref_slice %arg6[%arg0, %mul3A_12, %dma_start3A] : memref<2x10000x128xf32, #tpu.memory_space<hbm>> -> memref<1x624x128xf32, #tpu.memory_space<hbm>>
      %dma_start3A_19 = tpu.memref_squeeze %dma_start3A_18 : memref<1x624x128xf32, #tpu.memory_space<hbm>> -> memref<624x128xf32, #tpu.memory_space<hbm>>
      %dma_start3A_20 = arith.constant 0 : i32
      %dma_start3A_21 = tpu.memref_slice %arg11[%mul3A_12, %dma_start3A_20] : memref<10000x128xf32, #tpu.memory_space<vmem_shared>> -> memref<624x128xf32, #tpu.memory_space<vmem_shared>>
      tpu.enqueue_dma source(%dma_start3A_21 : memref<624x128xf32, #tpu.memory_space<vmem_shared>>) target(%dma_start3A_19 : memref<624x128xf32, #tpu.memory_space<hbm>>) target_semaphore(%run_scoped3A : memref<!tpu.dma_semaphore, #tpu.memory_space<semaphore_mem>>)
      %dma_wait3A = arith.constant 0 : i32
      %dma_wait3A_22 = tpu.memref_slice %arg6[%arg0, %mul3A_12, %dma_wait3A] : memref<2x10000x128xf32, #tpu.memory_space<hbm>> -> memref<1x624x128xf32, #tpu.memory_space<hbm>>
      %dma_wait3A_23 = tpu.memref_squeeze %dma_wait3A_22 : memref<1x624x128xf32, #tpu.memory_space<hbm>> -> memref<624x128xf32, #tpu.memory_space<hbm>>
      %dma_wait3A_24 = arith.constant 0 : i32
      %dma_wait3A_25 = tpu.memref_slice %arg11[%mul3A_12, %dma_wait3A_24] : memref<10000x128xf32, #tpu.memory_space<vmem_shared>> -> memref<624x128xf32, #tpu.memory_space<vmem_shared>>
      tpu.wait_dma2 semaphore(%run_scoped3A : memref<!tpu.dma_semaphore, #tpu.memory_space<semaphore_mem>>) src(%dma_wait3A_25 : memref<624x128xf32, #tpu.memory_space<vmem_shared>>) dst(%dma_wait3A_23 : memref<624x128xf32, #tpu.memory_space<hbm>>)
      tpu.yield
    }) : () -> ()
    %eq3A_13 = arith.constant 0 : i32
    %eq3A_14 = arith.cmpi eq, %arg1, %eq3A_13 : i32
    %convert_element_type3A_15 = arith.extui %eq3A_14 : i1 to i32
    %cond3A_16 = arith.constant 0 : i32
    %cond3A_17 = arith.cmpi ne, %convert_element_type3A_15, %cond3A_16 : i32
    scf.if %cond3A_17 {
      "tpu.region"() ({
        %run_scoped3A = tpu.sem_alloc : memref<!tpu.dma_semaphore, #tpu.memory_space<semaphore_mem>>
        %dma_start3A = arith.constant 9984 : i32
        %dma_start3A_18 = arith.constant 0 : i32
        %dma_start3A_19 = tpu.memref_slice %arg6[%arg0, %dma_start3A, %dma_start3A_18] : memref<2x10000x128xf32, #tpu.memory_space<hbm>> -> memref<1x16x128xf32, #tpu.memory_space<hbm>>
        %dma_start3A_20 = tpu.memref_squeeze %dma_start3A_19 : memref<1x16x128xf32, #tpu.memory_space<hbm>> -> memref<16x128xf32, #tpu.memory_space<hbm>>
        %dma_start3A_21 = arith.constant 9984 : i32
        %dma_start3A_22 = arith.constant 0 : i32
        %dma_start3A_23 = tpu.memref_slice %arg11[%dma_start3A_21, %dma_start3A_22] : memref<10000x128xf32, #tpu.memory_space<vmem_shared>> -> memref<16x128xf32, #tpu.memory_space<vmem_shared>>
        tpu.enqueue_dma source(%dma_start3A_23 : memref<16x128xf32, #tpu.memory_space<vmem_shared>>) target(%dma_start3A_20 : memref<16x128xf32, #tpu.memory_space<hbm>>) target_semaphore(%run_scoped3A : memref<!tpu.dma_semaphore, #tpu.memory_space<semaphore_mem>>)
        %dma_wait3A = arith.constant 9984 : i32
        %dma_wait3A_24 = arith.constant 0 : i32
        %dma_wait3A_25 = tpu.memref_slice %arg6[%arg0, %dma_wait3A, %dma_wait3A_24] : memref<2x10000x128xf32, #tpu.memory_space<hbm>> -> memref<1x16x128xf32, #tpu.memory_space<hbm>>
        %dma_wait3A_26 = tpu.memref_squeeze %dma_wait3A_25 : memref<1x16x128xf32, #tpu.memory_space<hbm>> -> memref<16x128xf32, #tpu.memory_space<hbm>>
        %dma_wait3A_27 = arith.constant 9984 : i32
        %dma_wait3A_28 = arith.constant 0 : i32
        %dma_wait3A_29 = tpu.memref_slice %arg11[%dma_wait3A_27, %dma_wait3A_28] : memref<10000x128xf32, #tpu.memory_space<vmem_shared>> -> memref<16x128xf32, #tpu.memory_space<vmem_shared>>
        tpu.wait_dma2 semaphore(%run_scoped3A : memref<!tpu.dma_semaphore, #tpu.memory_space<semaphore_mem>>) src(%dma_wait3A_29 : memref<16x128xf32, #tpu.memory_space<vmem_shared>>) dst(%dma_wait3A_26 : memref<16x128xf32, #tpu.memory_space<hbm>>)
        tpu.yield
      }) : () -> ()
    } else {
    }
    return
  }
}

module attributes {stable_mosaic.version = 14 : i64} {
  func.func @_layer_body(%arg0: i32, %arg1: memref<2x2000x128xf32, #tpu.memory_space<vmem>>, %arg2: memref<2000x32xf32, #tpu.memory_space<vmem>>, %arg3: memref<2000x128xf32, #tpu.memory_space<vmem>>, %arg4: memref<128x128xf32, #tpu.memory_space<vmem>>, %arg5: memref<128x128xf32, #tpu.memory_space<vmem>>, %arg6: memref<1x128xf32, #tpu.memory_space<vmem>>, %arg7: memref<2000x128xf32, #tpu.memory_space<vmem>>) attributes {dimension_semantics = [#tpu.dimension_semantics<arbitrary>], iteration_bounds = array<i64: 5>, scalar_prefetch = 0 : i64, scratch_operands = 0 : i64, tpu.core_type = #tpu.core_type<tc>, window_params = [{transform_indices = @transform_0, window_bounds = array<i64: 2, 2000, 128>}, {transform_indices = @transform_1, window_bounds = array<i64: 2000, 32>}, {transform_indices = @transform_2, window_bounds = array<i64: 2000, 128>}, {pipeline_mode = #tpu.pipeline_mode<synchronous>, transform_indices = @transform_3, window_bounds = array<i64: 128, 128>}, {pipeline_mode = #tpu.pipeline_mode<synchronous>, transform_indices = @transform_4, window_bounds = array<i64: 128, 128>}, {pipeline_mode = #tpu.pipeline_mode<synchronous>, transform_indices = @transform_5, window_bounds = array<i64: 1, 128>}, {transform_indices = @transform_6, window_bounds = array<i64: 2000, 128>}]} {
    %get3A = arith.constant 0 : index
    %get3A_0 = arith.constant 0 : index
    %get3A_1 = arith.constant 0 : index
    %get3A_2 = vector.load %arg1[%get3A, %get3A_0, %get3A_1] : memref<2x2000x128xf32, #tpu.memory_space<vmem>>, vector<1x2000x128xf32>
    %get3A_3 = vector.shape_cast %get3A_2 : vector<1x2000x128xf32> to vector<2000x128xf32>
    %get3A_4 = arith.constant 1 : index
    %get3A_5 = arith.constant 0 : index
    %get3A_6 = arith.constant 0 : index
    %get3A_7 = vector.load %arg1[%get3A_4, %get3A_5, %get3A_6] : memref<2x2000x128xf32, #tpu.memory_space<vmem>>, vector<1x2000x128xf32>
    %get3A_8 = vector.shape_cast %get3A_7 : vector<1x2000x128xf32> to vector<2000x128xf32>
    %add3A = arith.addf %get3A_3, %get3A_8 : vector<2000x128xf32>
    %get3A_9 = arith.constant 0 : index
    %get3A_10 = arith.constant 0 : index
    %get3A_11 = vector.load %arg2[%get3A_9, %get3A_10] : memref<2000x32xf32, #tpu.memory_space<vmem>>, vector<2000x32xf32>
    %reduce_sum3A = arith.constant dense<0.000000e+00> : vector<2000xf32>
    %reduce_sum3A_12 = vector.multi_reduction <add>, %get3A_11, %reduce_sum3A [1] : vector<2000x32xf32> to vector<2000xf32>
    %broadcast_in_dim3A = vector.shape_cast %reduce_sum3A_12 : vector<2000xf32> to vector<2000x1xf32>
    %max3A = arith.constant 1.000000e+00 : f32
    %max3A_13 = vector.broadcast %max3A : f32 to vector<2000x1xf32>
    %max3A_14 = arith.maximumf %broadcast_in_dim3A, %max3A_13 : vector<2000x1xf32>
    %div3A = arith.constant 1.000000e+00 : f32
    %div3A_15 = vector.broadcast %div3A : f32 to vector<2000x1xf32>
    %div3A_16 = arith.divf %div3A_15, %max3A_14 : vector<2000x1xf32>
    %mul3A = vector.broadcast %div3A_16 : vector<2000x1xf32> to vector<2000x128xf32>
    %mul3A_17 = arith.mulf %add3A, %mul3A : vector<2000x128xf32>
    %get3A_18 = arith.constant 0 : index
    %get3A_19 = arith.constant 0 : index
    %get3A_20 = vector.load %arg4[%get3A_18, %get3A_19] : memref<128x128xf32, #tpu.memory_space<vmem>>, vector<128x128xf32>
    %dot_general3A = arith.constant dense<0.000000e+00> : vector<2000x128xf32>
    %dot_general3A_21 = tpu.matmul %mul3A_17, %get3A_20, %dot_general3A {dimension_numbers = #tpu.dot_dimension_numbers<[1], [0], [0], [1], [0, 0, 1, 1], [], []>, precision = #tpu.contract_precision<fp32>, transpose_lhs_hint = false} : vector<2000x128xf32>, vector<128x128xf32>, vector<2000x128xf32> -> vector<2000x128xf32>
    %get3A_22 = arith.constant 0 : index
    %get3A_23 = arith.constant 0 : index
    %get3A_24 = vector.load %arg3[%get3A_22, %get3A_23] : memref<2000x128xf32, #tpu.memory_space<vmem>>, vector<2000x128xf32>
    %get3A_25 = arith.constant 0 : index
    %get3A_26 = arith.constant 0 : index
    %get3A_27 = vector.load %arg5[%get3A_25, %get3A_26] : memref<128x128xf32, #tpu.memory_space<vmem>>, vector<128x128xf32>
    %dot_general3A_28 = arith.constant dense<0.000000e+00> : vector<2000x128xf32>
    %dot_general3A_29 = tpu.matmul %get3A_24, %get3A_27, %dot_general3A_28 {dimension_numbers = #tpu.dot_dimension_numbers<[1], [0], [0], [1], [0, 0, 1, 1], [], []>, precision = #tpu.contract_precision<fp32>, transpose_lhs_hint = false} : vector<2000x128xf32>, vector<128x128xf32>, vector<2000x128xf32> -> vector<2000x128xf32>
    %add3A_30 = arith.addf %dot_general3A_21, %dot_general3A_29 : vector<2000x128xf32>
    %get3A_31 = arith.constant 0 : index
    %get3A_32 = arith.constant 0 : index
    %get3A_33 = vector.load %arg6[%get3A_31, %get3A_32] : memref<1x128xf32, #tpu.memory_space<vmem>>, vector<1x128xf32>
    %add3A_34 = vector.broadcast %get3A_33 : vector<1x128xf32> to vector<2000x128xf32>
    %add3A_35 = arith.addf %add3A_30, %add3A_34 : vector<2000x128xf32>
    %max3A_36 = arith.constant 0.000000e+00 : f32
    %max3A_37 = vector.broadcast %max3A_36 : f32 to vector<2000x128xf32>
    %max3A_38 = arith.maximumf %add3A_35, %max3A_37 : vector<2000x128xf32>
    %swap3A = arith.constant 0 : index
    %swap3A_39 = arith.constant 0 : index
    %swap3A_40 = vector.load %arg7[%swap3A, %swap3A_39] : memref<2000x128xf32, #tpu.memory_space<vmem>>, vector<2000x128xf32>
    tpu.vector_store %arg7[%swap3A, %swap3A_39], %max3A_38 {strides = array<i32>} : memref<2000x128xf32, #tpu.memory_space<vmem>>, vector<2000x128xf32>,
    return
  }
  func.func @transform_0(%arg0: i32) -> (i32, i32, i32) {
    %c0_i32 = arith.constant 0 : i32
    %c0_i32_0 = arith.constant 0 : i32
    %c0_i32_1 = arith.constant 0 : i32
    return %c0_i32, %arg0, %c0_i32_0 : i32, i32, i32
  }
  func.func @transform_1(%arg0: i32) -> (i32, i32) {
    %c0_i32 = arith.constant 0 : i32
    %c0_i32_0 = arith.constant 0 : i32
    return %arg0, %c0_i32 : i32, i32
  }
  func.func @transform_2(%arg0: i32) -> (i32, i32) {
    %c0_i32 = arith.constant 0 : i32
    %c0_i32_0 = arith.constant 0 : i32
    return %arg0, %c0_i32 : i32, i32
  }
  func.func @transform_3(%arg0: i32) -> (i32, i32) {
    %c0_i32 = arith.constant 0 : i32
    %c0_i32_0 = arith.constant 0 : i32
    %c0_i32_1 = arith.constant 0 : i32
    return %c0_i32, %c0_i32_0 : i32, i32
  }
  func.func @transform_4(%arg0: i32) -> (i32, i32) {
    %c0_i32 = arith.constant 0 : i32
    %c0_i32_0 = arith.constant 0 : i32
    %c0_i32_1 = arith.constant 0 : i32
    return %c0_i32, %c0_i32_0 : i32, i32
  }
  func.func @transform_5(%arg0: i32) -> (i32, i32) {
    %c0_i32 = arith.constant 0 : i32
    %c0_i32_0 = arith.constant 0 : i32
    %c0_i32_1 = arith.constant 0 : i32
    return %c0_i32, %c0_i32_0 : i32, i32
  }
  func.func @transform_6(%arg0: i32) -> (i32, i32) {
    %c0_i32 = arith.constant 0 : i32
    %c0_i32_0 = arith.constant 0 : i32
    return %arg0, %c0_i32 : i32, i32
  }
}

module attributes {stable_mosaic.version = 14 : i64} {
  func.func @_layer_body(%arg0: i32, %arg1: memref<2x2000x128xf32, #tpu.memory_space<vmem>>, %arg2: memref<2000x32xf32, #tpu.memory_space<vmem>>, %arg3: memref<2000x128xf32, #tpu.memory_space<vmem>>, %arg4: memref<128x128xf32, #tpu.memory_space<vmem>>, %arg5: memref<128x128xf32, #tpu.memory_space<vmem>>, %arg6: memref<1x128xf32, #tpu.memory_space<vmem>>, %arg7: memref<2000x128xf32, #tpu.memory_space<vmem>>) attributes {dimension_semantics = [#tpu.dimension_semantics<arbitrary>], iteration_bounds = array<i64: 5>, scalar_prefetch = 0 : i64, scratch_operands = 0 : i64, tpu.core_type = #tpu.core_type<tc>, window_params = [{transform_indices = @transform_0, window_bounds = array<i64: 2, 2000, 128>}, {transform_indices = @transform_1, window_bounds = array<i64: 2000, 32>}, {transform_indices = @transform_2, window_bounds = array<i64: 2000, 128>}, {pipeline_mode = #tpu.pipeline_mode<synchronous>, transform_indices = @transform_3, window_bounds = array<i64: 128, 128>}, {pipeline_mode = #tpu.pipeline_mode<synchronous>, transform_indices = @transform_4, window_bounds = array<i64: 128, 128>}, {pipeline_mode = #tpu.pipeline_mode<synchronous>, transform_indices = @transform_5, window_bounds = array<i64: 1, 128>}, {transform_indices = @transform_6, window_bounds = array<i64: 2000, 128>}]} {
    %get3A = arith.constant 0 : index
    %get3A_0 = arith.constant 0 : index
    %get3A_1 = arith.constant 0 : index
    %get3A_2 = vector.load %arg1[%get3A, %get3A_0, %get3A_1] : memref<2x2000x128xf32, #tpu.memory_space<vmem>>, vector<1x2000x128xf32>
    %get3A_3 = vector.shape_cast %get3A_2 : vector<1x2000x128xf32> to vector<2000x128xf32>
    %get3A_4 = arith.constant 1 : index
    %get3A_5 = arith.constant 0 : index
    %get3A_6 = arith.constant 0 : index
    %get3A_7 = vector.load %arg1[%get3A_4, %get3A_5, %get3A_6] : memref<2x2000x128xf32, #tpu.memory_space<vmem>>, vector<1x2000x128xf32>
    %get3A_8 = vector.shape_cast %get3A_7 : vector<1x2000x128xf32> to vector<2000x128xf32>
    %add3A = arith.addf %get3A_3, %get3A_8 : vector<2000x128xf32>
    %get3A_9 = arith.constant 0 : index
    %get3A_10 = arith.constant 0 : index
    %get3A_11 = vector.load %arg2[%get3A_9, %get3A_10] : memref<2000x32xf32, #tpu.memory_space<vmem>>, vector<2000x32xf32>
    %reduce_sum3A = arith.constant dense<0.000000e+00> : vector<2000xf32>
    %reduce_sum3A_12 = vector.multi_reduction <add>, %get3A_11, %reduce_sum3A [1] : vector<2000x32xf32> to vector<2000xf32>
    %broadcast_in_dim3A = vector.shape_cast %reduce_sum3A_12 : vector<2000xf32> to vector<2000x1xf32>
    %max3A = arith.constant 1.000000e+00 : f32
    %max3A_13 = vector.broadcast %max3A : f32 to vector<2000x1xf32>
    %max3A_14 = arith.maximumf %broadcast_in_dim3A, %max3A_13 : vector<2000x1xf32>
    %div3A = arith.constant 1.000000e+00 : f32
    %div3A_15 = vector.broadcast %div3A : f32 to vector<2000x1xf32>
    %div3A_16 = arith.divf %div3A_15, %max3A_14 : vector<2000x1xf32>
    %mul3A = vector.broadcast %div3A_16 : vector<2000x1xf32> to vector<2000x128xf32>
    %mul3A_17 = arith.mulf %add3A, %mul3A : vector<2000x128xf32>
    %get3A_18 = arith.constant 0 : index
    %get3A_19 = arith.constant 0 : index
    %get3A_20 = vector.load %arg4[%get3A_18, %get3A_19] : memref<128x128xf32, #tpu.memory_space<vmem>>, vector<128x128xf32>
    %dot_general3A = arith.constant dense<0.000000e+00> : vector<2000x128xf32>
    %dot_general3A_21 = tpu.matmul %mul3A_17, %get3A_20, %dot_general3A {dimension_numbers = #tpu.dot_dimension_numbers<[1], [0], [0], [1], [0, 0, 1, 1], [], []>, precision = #tpu.contract_precision<fp32>, transpose_lhs_hint = false} : vector<2000x128xf32>, vector<128x128xf32>, vector<2000x128xf32> -> vector<2000x128xf32>
    %get3A_22 = arith.constant 0 : index
    %get3A_23 = arith.constant 0 : index
    %get3A_24 = vector.load %arg3[%get3A_22, %get3A_23] : memref<2000x128xf32, #tpu.memory_space<vmem>>, vector<2000x128xf32>
    %get3A_25 = arith.constant 0 : index
    %get3A_26 = arith.constant 0 : index
    %get3A_27 = vector.load %arg5[%get3A_25, %get3A_26] : memref<128x128xf32, #tpu.memory_space<vmem>>, vector<128x128xf32>
    %dot_general3A_28 = arith.constant dense<0.000000e+00> : vector<2000x128xf32>
    %dot_general3A_29 = tpu.matmul %get3A_24, %get3A_27, %dot_general3A_28 {dimension_numbers = #tpu.dot_dimension_numbers<[1], [0], [0], [1], [0, 0, 1, 1], [], []>, precision = #tpu.contract_precision<fp32>, transpose_lhs_hint = false} : vector<2000x128xf32>, vector<128x128xf32>, vector<2000x128xf32> -> vector<2000x128xf32>
    %add3A_30 = arith.addf %dot_general3A_21, %dot_general3A_29 : vector<2000x128xf32>
    %get3A_31 = arith.constant 0 : index
    %get3A_32 = arith.constant 0 : index
    %get3A_33 = vector.load %arg6[%get3A_31, %get3A_32] : memref<1x128xf32, #tpu.memory_space<vmem>>, vector<1x128xf32>
    %add3A_34 = vector.broadcast %get3A_33 : vector<1x128xf32> to vector<2000x128xf32>
    %add3A_35 = arith.addf %add3A_30, %add3A_34 : vector<2000x128xf32>
    %swap3A = arith.constant 0 : index
    %swap3A_36 = arith.constant 0 : index
    %swap3A_37 = vector.load %arg7[%swap3A, %swap3A_36] : memref<2000x128xf32, #tpu.memory_space<vmem>>, vector<2000x128xf32>
    tpu.vector_store %arg7[%swap3A, %swap3A_36], %add3A_35 {strides = array<i32>} : memref<2000x128xf32, #tpu.memory_space<vmem>>, vector<2000x128xf32>,
    return
  }
  func.func @transform_0(%arg0: i32) -> (i32, i32, i32) {
    %c0_i32 = arith.constant 0 : i32
    %c0_i32_0 = arith.constant 0 : i32
    %c0_i32_1 = arith.constant 0 : i32
    return %c0_i32, %arg0, %c0_i32_0 : i32, i32, i32
  }
  func.func @transform_1(%arg0: i32) -> (i32, i32) {
    %c0_i32 = arith.constant 0 : i32
    %c0_i32_0 = arith.constant 0 : i32
    return %arg0, %c0_i32 : i32, i32
  }
  func.func @transform_2(%arg0: i32) -> (i32, i32) {
    %c0_i32 = arith.constant 0 : i32
    %c0_i32_0 = arith.constant 0 : i32
    return %arg0, %c0_i32 : i32, i32
  }
  func.func @transform_3(%arg0: i32) -> (i32, i32) {
    %c0_i32 = arith.constant 0 : i32
    %c0_i32_0 = arith.constant 0 : i32
    %c0_i32_1 = arith.constant 0 : i32
    return %c0_i32, %c0_i32_0 : i32, i32
  }
  func.func @transform_4(%arg0: i32) -> (i32, i32) {
    %c0_i32 = arith.constant 0 : i32
    %c0_i32_0 = arith.constant 0 : i32
    %c0_i32_1 = arith.constant 0 : i32
    return %c0_i32, %c0_i32_0 : i32, i32
  }
  func.func @transform_5(%arg0: i32) -> (i32, i32) {
    %c0_i32 = arith.constant 0 : i32
    %c0_i32_0 = arith.constant 0 : i32
    %c0_i32_1 = arith.constant 0 : i32
    return %c0_i32, %c0_i32_0 : i32, i32
  }
  func.func @transform_6(%arg0: i32) -> (i32, i32) {
    %c0_i32 = arith.constant 0 : i32
    %c0_i32_0 = arith.constant 0 : i32
    return %arg0, %c0_i32 : i32, i32
  }
}

</mosaic_0001>

<sc_bundles>
// kernel: kernel.10.cloned.1.call-start
scs
__scs_entry_jumppad:
0x0: {  	(pc) =	sbr.rel $0x88, $3  }
0x1: {  	(tag) =	ssettag $0x0;
	lr =	simm.s32 $0x1  }
0x2: {  	[smem:$0x3F99] =	sst lr;
	_ =	strace $0xD0000000  }
0x3: {  	_ = 	snop  }
0x4: {  	_ = 	snop  }
0x5: {  	_ = 	snop  }
0x6: {  	_ = 	snop  }
0x7: {  	_ = 	snop  }
__scs_overlays_trampoline_lowered:
0x8: {  	[smem:$0x3FA8] =	sst s0  }
0x9: {  	[smem:$0x3FA9] =	sst s1  }
0xa: {  	[smem:$0x3FAA] =	sst s2  }
0xb: {  	[smem:$0x3FAB] =	sst s3  }
0xc: {  	[smem:$0x3FAC] =	sst s4  }
0xd: {  	[smem:$0x3FAD] =	sst s5  }
0xe: {  	[smem:$0x3FAE] =	sst s6  }
0xf: {  	[smem:$0x3FAF] =	sst s7  }
0x10: {  	[smem:$0x3FB0] =	sst s8  }
0x11: {  	[smem:$0x3FB1] =	sst s9;
	s0 =	simm.s32 @!p0 $0x0  }
0x12: {  	s1 =	sld [smem:$0x3F97];
	s0 =	simm.s32 @p0 $0x1  }
0x13: {  	[smem:$0x3FB2] =	sst s0;
	s0 =	simm.s32 @!p1 $0x0  }
0x14: {  	s2 =	sld [smem:$0x3F96];
	s0 =	simm.s32 @p1 $0x1  }
0x15: {  	[smem:$0x3FB3] =	sst s0;
	s0 =	simm.s32 @!p2 $0x0  }
0x16: {  	s3 =	sld [smem:$0x3FDB];
	s0 =	simm.s32 @p2 $0x1  }
0x17: {  	s4 =	simm.s32 $0x1BF5;
	[smem:$0x3FB5] =	sst s0  }
0x18: {  	s0 =	sld [smem:$0x3F98];
	_ =	swait.ge [sflag:s4], $0x0  }
0x19: {  	s7 =	sld [smem:$0x3F99]  }
0x1a: {  	s8 =	sadd.s32 $0xFFFFE003, lr  }
0x1b: {  	s9 =	sadd.s32 $0xFFFFFEF7, lr;
	s5 =	simm.s32 $0xFFFFFFFF;
	p2 =	slt.u32 s8, $0xFFFFF086  }
0x1c: {  	p1 =	slt.u32 s9, $0xF7A;
	s5 =	simm.s32 @!p2 $0x0  }
0x1d: {  	s5 =	simm.s32 @p1 $0x1;
	p0 =	seq.s32 s7, s2  }
0x1e: {  	s7 =	smul.u32 @!p0 $0xF7A, s2;
	p2 =	seq.s32 @!p0 s5, $0x0  }
0x1f: {  	s9 =	smul.u32 $0xF7A, s1;
	s8 =	simm.s32 @!p0 $0x1BF5;
	p2 =	por !p2, p0  }
0x20: {  	[sflag:s8] =	ssyncset.s32 @!p0 $0xFFFFF086;
	s6 =	sadd.s32 @!p0 s3, s7;
	s7 =	simm.s32 @!p0 $0x108  }
0x21: {  	s3 =	sadd.s32 s3, s9;
	s6 =	sadd.s32 @!p0 $0x88, s6;
	s7 =	simm.s32 @p2 $0x1082  }
0x22: {  	[simem:s7], [sflag:s8] =	dma.local @!p0 [hbm:s6], $0xF7A  }
0x23: {  	s9 =	sor.u32 $0xD0000000, s2;
	s6 =	simm.s32 $0x108;
	_ =	swait.ge @!p0 [sflag:s8], $0x0  }
0x24: {  	s3 =	sadd.s32 $0x88, s3;
	s6 =	simm.s32 @!p1 $0x1082;
	[sflag:s4] =	ssyncset.s32 $0xFFFFF086  }
0x25: {  	[simem:s6], [sflag:s4] =	dma.local [hbm:s3], $0xF7A  }
0x26: {  	[smem:$0x3F99] =	sst s1;
	(tag) =	ssettag s2;
	_ =	strace s9  }
0x27: {  	s1 =	sld [smem:$0x3FA9]  }
0x28: {  	s2 =	sld [smem:$0x3FAA]  }
0x29: {  	s4 =	sld [smem:$0x3FAC]  }
0x2a: {  	p0 =	seq.s32 s5, $0x0;
	s5 =	sld [smem:$0x3FAD]  }
0x2b: {  	s6 =	sld [smem:$0x3FAE]  }
0x2c: {  	s7 =	sld [smem:$0x3FAF]  }
0x2d: {  	s3 =	simm.s32 $0x108;
	s8 =	sld [smem:$0x3FB0]  }
0x2e: {  	s3 =	simm.s32 @!p0 $0x1082;
	s9 =	sld [smem:$0x3FB1]  }
0x2f: {  	lr =	sadd.s32 s0, s3;
	s0 =	sld [smem:$0x3FA8]  }
0x30: {  	s3 =	sld [smem:$0x3FAB]  }
0x31: {  	[smem:$0x3FB4] =	sst s10  }
0x32: {  	s10 =	sld [smem:$0x3FB2];
	_ =	sdelay $0x3  }
0x33: {  	p0 =	seq.s32 s10, $0x1;
	s10 =	sld [smem:$0x3FB4];
	_ =	sdelay $0x3  }
0x34: {  	[smem:$0x3FB4] =	sst s10  }
0x35: {  	s10 =	sld [smem:$0x3FB3];
	_ =	sdelay $0x3  }
0x36: {  	p1 =	seq.s32 s10, $0x1;
	s10 =	sld [smem:$0x3FB4];
	_ =	sdelay $0x3  }
0x37: {  	[smem:$0x3FB4] =	sst s10  }
0x38: {  	s10 =	sld [smem:$0x3FB5]  }
0x39: {  	_ = 	snop;
	(pc) =	sbr.ind lr, $3  }
0x3a: {  	_ = 	snop  }
0x3b: {  	_ = 	snop  }
0x3c: {  	p2 =	seq.s32 s10, $0x1;
	s10 =	sld [smem:$0x3FB4]  }
0x3d: {  	_ =	shalt  }
0x3e: {  	_ =	shalt  }
0x3f: {  	_ =	shalt  }
0x40: {  	_ =	shalt  }
0x41: {  	_ =	shalt  }
0x42: {  	_ =	shalt  }
0x43: {  	_ =	shalt  }
0x44: {  	_ =	shalt  }
0x45: {  	_ =	shalt  }
0x46: {  	_ =	shalt  }
0x47: {  	_ =	shalt  }
0x48: {  	_ =	shalt  }
0x49: {  	_ =	shalt  }
0x4a: {  	_ =	shalt  }
0x4b: {  	_ =	shalt  }
0x4c: {  	_ =	shalt  }
0x4d: {  	_ =	shalt  }
0x4e: {  	_ =	shalt  }
0x4f: {  	_ =	shalt  }
0x50: {  	_ =	shalt  }
0x51: {  	_ =	shalt  }
0x52: {  	_ =	shalt  }
0x53: {  	_ =	shalt  }
0x54: {  	_ =	shalt  }
0x55: {  	_ =	shalt  }
0x56: {  	_ =	shalt  }
0x57: {  	_ =	shalt  }
0x58: {  	_ =	shalt  }
0x59: {  	_ =	shalt  }
0x5a: {  	_ =	shalt  }
0x5b: {  	_ =	shalt  }
0x5c: {  	_ =	shalt  }
0x5d: {  	_ =	shalt  }
0x5e: {  	_ =	shalt  }
0x5f: {  	_ =	shalt  }
0x60: {  	_ =	shalt  }
0x61: {  	_ =	shalt  }
0x62: {  	_ =	shalt  }
0x63: {  	_ =	shalt  }
0x64: {  	_ =	shalt  }
0x65: {  	_ =	shalt  }
0x66: {  	_ =	shalt  }
0x67: {  	_ =	shalt  }
0x68: {  	_ =	shalt  }
0x69: {  	_ =	shalt  }
0x6a: {  	_ =	shalt  }
0x6b: {  	_ =	shalt  }
0x6c: {  	_ =	shalt  }
0x6d: {  	_ =	shalt  }
0x6e: {  	_ =	shalt  }
0x6f: {  	_ =	shalt  }
0x70: {  	_ =	shalt  }
0x71: {  	_ =	shalt  }
0x72: {  	_ =	shalt  }
0x73: {  	_ =	shalt  }
0x74: {  	_ =	shalt  }
0x75: {  	_ =	shalt  }
0x76: {  	_ =	shalt  }
0x77: {  	_ =	shalt  }
0x78: {  	_ =	shalt  }
0x79: {  	_ =	shalt  }
0x7a: {  	_ =	shalt  }
0x7b: {  	_ =	shalt  }
0x7c: {  	_ =	shalt  }
0x7d: {  	_ =	shalt  }
0x7e: {  	_ =	shalt  }
0x7f: {  	_ =	shalt  }
0x80: {  	_ =	shalt  }
0x81: {  	_ =	shalt  }
0x82: {  	_ =	shalt  }
0x83: {  	_ =	shalt  }
0x84: {  	_ =	shalt  }
0x85: {  	_ =	shalt  }
0x86: {  	_ =	shalt  }
0x87: {  	_ =	shalt  }
.Lfunc_end0:
.L_simem_size_0:
called_computation.1_lowered:
.L_overlay_start_0:
0x88: {  	s2 =	sld [smem:$0x3FD9]  }
0x89: {  	s3 =	sld [smem:$0x3FFE];
	_ =	sdelay $0x1  }
0x8a: {  	s1 =	srdreg.scid  }
0x8b: {  	s0 =	sand.u32 $0x1, s1  }
0x8c: {  	s17 =	sshll.u32 s0, $0xA;
	s2 =	sadd.s32 s3, s2  }
0x8d: {  	s2 =	sadd.s32 s2, s17  }
0x8e: {  	[smem:$0x3FC0] =	sst s2  }
0x8f: {  	_ = 	snop  }
0x90: {  	s4 =	sld [smem:$0x3FC9]  }
0x91: {  	s18 =	sld [smem:$0x3FD0];
	(tm) =	ssettm $0x1  }
0x92: {  	s19 =	sld [smem:$0x3FFB];
	_ =	sdelay $0x3  }
0x93: {  	_ =	strace s19  }
0x94: {  	s2 =	sld [smem:$0x3FFC];
	_ =	sdelay $0x3  }
0x95: {  	_ =	strace s2  }
0x96: {  	s2 =	sld [smem:$0x3FFD];
	_ =	sdelay $0x3  }
0x97: {  	_ =	strace s2  }
0x98: {  	_ =	strace $0x8FFFFFFF  }
0x99: {  	s20 =	sld [smem:$0x3FDB];
	_ =	sdelay $0x1  }
0x9a: {  	s5 =	simm.s32 $_scs_section_size  }
0x9b: {  	s6 =	simm.s32 $_size__tile_overlayer_lowered;
	s7 =	simm.s32 $_tile_overlayer_lowered  }
0x9c: {  	s8 =	simm.s32 $0x1BFF;
	s21 =	sshll.u32 s7, $0x1;
	s5 =	sadd.s32 s5, s20  }
0x9d: {  	s22 =	simm.s32 $0x0;
	s6 =	sshll.u32 s6, $0x1;
	s7 =	sadd.s32 s21, s5  }
0x9e: {  	[timem:s22], [sflag:s8] =	dma.local [hbm:s7], s6  }
0x9f: {  	_ =	swait.ge [sflag:s8], s6  }
0xa0: {  	s6 =	ssub.s32 $0x0, s6;
	[sflag:s8] =	ssyncset.done $0x0  }
0xa1: {  	[sflag:s8] =	ssyncadd.s32 s6;
	_ =	sdelay $0x1  }
0xa2: {  	s23 =	simm.s32 $0x1B8B  }
0xa3: {  	_ =	swait.ge [sflag:s23], $0x1  }
0xa4: {  	[sflag:s23] =	ssyncset.done $0x0  }
0xa5: {  	[sflag:s23] =	ssyncadd.s32 $0xFFFFFFFF  }
0xa6: {  	s6 =	sld [smem:$0x0]  }
0xa7: {  	s7 =	sand.u32 $0xFFFFFFFE, s1  }
0xa8: {  	p0 =	sne.s32 s1, s7  }
0xa9: {  	s7 =	sshll.u32 @p0 s7, $0xE  }
0xaa: {  	s7 =	sadd.s32 @p0 $0x11B8D, s7;
	s8 =	sshll.u32 @p0 s6, $0x11  }
0xab: {  	s7 =	sor.u32 @p0 s8, s7  }
0xac: {  	[sflag:s7] =	ssyncadd.remote.s32 @p0 $0x1;
	_ =	sdelay $0x1  }
0xad: {  	s7 =	simm.s32 @p0 $0x1B8D  }
0xae: {  	_ =	swait.eq @p0 [sflag:s7], $0x1  }
0xaf: {  	[sflag:s7] =	ssyncadd.s32 @p0 $0xFFFFFFFF  }
0xb0: {  	s8 =	sshll.u32 @!p0 s1, $0xE  }
0xb1: {  	s8 =	sor.u32 @!p0 $0x4000, s8;
	s7 =	simm.s32 @!p0 $0x1B8D  }
0xb2: {  	s6 =	sshll.u32 @!p0 s6, $0x11;
	s8 =	sadd.s32 @!p0 $0x11B8D, s8;
	_ =	swait.eq @!p0 [sflag:s7], $0x1  }
0xb3: {  	s6 =	sor.u32 @!p0 s6, s8;
	[sflag:s7] =	ssyncadd.s32 @!p0 $0xFFFFFFFF  }
0xb4: {  	s25 =	simm.s32 $0x1B8E;
	s24 =	sld [smem:$0x3FFE];
	[sflag:s6] =	ssyncadd.remote.s32 @!p0 $0x1  }
0xb5: {  	s26 =	simm.s32 $execute0_lowered;
	[smem:$0x3FD2] =	sst s25  }
0xb6: {  	s7 =	sshll.u32 s26, $0x1;
	_ =	strace $0x80000049;
	[dreg:$0x1] =	wrdreg $0xFFFFFFFF  }
0xb7: {  	s28 =	simm.s32 $_size_execute0_lowered;
	s5 =	sadd.s32 s5, s7;
	[dreg:$0x0] =	wrdreg $0x0  }
0xb8: {  	s7 =	sshll.u32 s28, $0x1;
	[dreg:$0x2] =	wrdreg s5  }
0xb9: {  	[dreg:$0x3] =	wrdreg s7  }
0xba: {  	[dreg:$0x4] =	wrdreg $0xC0  }
0xbb: {  	_ =	task [dreg:s22], $0x5FFFF  }
0xbc: {  	[dreg:$0x1] =	wrdreg $0xFFFFFFFF  }
0xbd: {  	[dreg:$0x0] =	wrdreg $0x60  }
0xbe: {  	[dreg:$0x2] =	wrdreg s4  }
0xbf: {  	[dreg:$0x3] =	wrdreg s24  }
0xc0: {  	[dreg:$0x4] =	wrdreg s18  }
0xc1: {  	[dreg:$0x5] =	wrdreg $0x70000  }
0xc2: {  	[dreg:$0x6] =	wrdreg $0xA  }
0xc3: {  	_ =	task.clear_ibuf [dreg:s22], $0x7FFFF;
	_ =	strace $0x90000049  }
0xc4: {  	s29 =	simm.s32 $0xA;
	_ =	strace $0x8000004B  }
0xc5: {  	_ =	swait.ge [sflag:s29], $0x1  }
0xc6: {  	[sflag:s29] =	ssyncadd.s32 $0xFFFFFFFF  }
0xc7: {  	_ =	strace $0x9000004B  }
0xc8: {  	_ =	sfence  }
0xc9: {  	s30 =	sld [smem:$0x0];
	_ =	sdelay $0x2  }
0xca: {  	s31 =	sshll.u32 s1, $0xD;
	s1 =	sshrl.u32 s1, $0x2  }
0xcb: {  	s4 =	sand.u32 $0x4000, s31;
	s1 =	sadd.s32 s1, s30  }
0xcc: {  	s0 =	sor.u32 s4, s0;
	s1 =	sshll.u32 s1, $0x11  }
0xcd: {  	s0 =	sor.u32 s1, s0  }
0xce: {  	s0 =	sadd.s32 $0x8F2B, s0  }
0xcf: {  	[sflag:s0] =	ssyncadd.remote.s32 $0x1  }
0xd0: {  	_ =	sfence.sel $0xFFFF  }
0xd1: {  	[dreg:$0x0] =	wrdreg $0xFFFFFFFF;
	(pc) =	sbr.abs _section_cstart, $3  }
0xd2: {  	[dreg:$0x1] =	wrdreg $0xFFFFFFFF  }
0xd3: {  	_ =	task.clear_ibuf [dreg:s22], $0x2FFFF;
	_ =	strace $0x9FFFFFFF  }
0xd4: {  	(tm) =	ssettm $0x7FFFFFFF  }
0xd5: {  	_ =	shalt  }
tec
execute0_lowered:
.L_overlay_start_1:
0x0: {  	(tag) =	ssettag $0x1  }
0x1: {  	s1 =	rddreg [dreg:$0x0]  }
0x2: {  	s0 =	rddreg [dreg:$0x1]  }
0x3: {  	s8 =	rddreg [dreg:$0x2]  }
0x4: {  	s2 =	rddreg [dreg:$0x3]  }
0x5: {  	s3 =	simm.s32 $0x0;
	s6 =	srdreg.scid;
	s13 =	stileid.u32  }
0x6: {  	s18 =	simm.s32 $0x2000;
	s19 =	simm.s32 $0x1;
	s20 =	simm.s32 $0x80  }
0x7: {  	s21 =	simm.s32 $0x4800;
	s28 =	simm.s32 $0x1C00;
	s29 =	simm.s32 $0x0  }
0x8: {  	[smem:$0x7FF] =	sst s3;
	s4 =	sadd.s32 $0x29C00, s0;
	s5 =	sadd.s32 $0x15C00, s0  }
0x9: {  	s6 =	sand.u32 $0x1, s6;
	s0 =	sadd.s32 $0x3DC00, s0;
	s9 =	smul.u32 $0x4E000, s13  }
0xa: {  	s12 =	smul.u32 $0x13800, s13;
	s25 =	sshll.u32 s13, $0x6;
	s17 =	sadd.s32 $0x138000, s2  }
0xb: {  	p0 =	sne.s32 s13, $0x0;
	_ =	strace $0x8000004A;
	s7 =	ssub.s32 $0x2, s6  }
0xc: {  	s11 =	sshll.u32 s6, $0x4;
	s15 =	smul.u32 $0x138800, s6;
	s10 =	sshrl.u32 s7, $0x1  }
0xd: {  	s22 =	sor.u32 s13, s11;
	s23 =	sshrl.u32 s9, $0x2;
	s24 =	sshrl.u32 s12, $0x3  }
0xe: {  	s14 =	ssub.s32 s7, s10;
	s16 =	sadd.s32 s23, s2;
	s26 =	sadd.s32 s8, s24  }
0xf: {  	s7 =	sor.u32 $0x1C05, s25;
	s30 =	sadd.s32 s12, s15;
	s31 =	sshrl.u32 s15, $0x3  }
0x10: {  	s8 =	sadd.s32 $0x27000, s8;
	s9 =	smul.u32 $0x5000, s22;
	s15 =	sshrl.u32 @!p0 s17, $0x3  }
0x11: {  	s17 =	simm.s32 $0x50;
	s22 =	simm.s32 $0x2;
	s23 =	simm.s32 $0x1080  }
0x12: {  	s24 =	simm.s32 $0x3;
	s25 =	simm.s32 $0x100;
	[dreg:$0x5] =	wrdreg s26  }
0x13: {  	s12 =	sshrl.u32 s30, $0x3;
	s11 =	sadd.s32 s0, s31;
	s13 =	sshrl.u32 s16, $0x3  }
0x14: {  	s16 =	simm.s32 $0x1000;
	s26 =	simm.s32 $0x4;
	s10 =	sadd.s32 s0, s12  }
0x15: {  	s11 =	sadd.s32 $0x27000, s11;
	s12 =	smax.u32 s14, $0x1;
	s14 =	simm.s32 $0x5  }
.LBB2_1:
0x16: {  	s0 =	rddreg [dreg:$0x5]  }
0x17: {  	[spmem:s13], [sflag:s7] =	dma.local [hbm:s0], $0x2700  }
0x18: {  	_ =	swait.ge [sflag:s14], $0x2700  }
0x19: {  	[sflag:s14] =	ssyncset.done $0x0  }
0x1a: {  	s0 =	simm.s32 @!p0 $0x5;
	[sflag:s14] =	ssyncadd.s32 $0xFFFFD900  }
0x1b: {  	[spmem:s15], [sflag:s7] =	dma.local @!p0 [hbm:s8], $0x100  }
0x1c: {  	_ =	swait.ge @!p0 [sflag:s0], $0x100  }
0x1d: {  	[sflag:s0] =	ssyncset.done @!p0 $0x0  }
0x1e: {  	[sflag:s0] =	ssyncadd.s32 @!p0 $0xFFFFFF00  }
0x1f: {  	s30 =	simm.s32 $0x0;
	[bflag:$0x0] =	sbarrier.arrive $0xFFFF  }
.LBB2_2:
0x20: {  	s0 =	sshll.u32 s30, $0xC  }
0x21: {  	s0 =	sadd.s32 s9, s0  }
0x22: {  	s0 =	sshrl.u32 s0, $0x3  }
0x23: {  	s31 =	sadd.s32 s4, s0  }
0x24: {  	[tilespmem:s3], [sflag:$0x5] =	stream.linear.gather [hbm4b:s31+s3], $0xC80, $0x38;
	[tilespmem:$0x1A880] =	vst v63  }
0x25: {  	_ =	swait.ge [sflag:s14], $0xC80  }
0x26: {  	[sflag:s14] =	ssyncset.done $0x0  }
0x27: {  	s0 =	sadd.s32 s5, s0;
	[sflag:s14] =	ssyncadd.s32 $0xFFFFF380  }
0x28: {  	[tilespmem:s16], [sflag:$0x5] =	stream.linear.gather [hbm4b:s0+s3], $0xC80, $0x38;
	[tilespmem:$0x1A880] =	vst v63  }
0x29: {  	_ =	swait.ge [sflag:s14], $0xC80  }
0x2a: {  	[sflag:s14] =	ssyncset.done $0x0  }
0x2b: {  	[sflag:s14] =	ssyncadd.s32 $0xFFFFF380  }
0x2c: {  	[tilespmem:s18], [sflag:$0x1] =	stream.indirect.gather [hbm4b:s1+s17], $0x80, s3, s17, $0xb8;
	[tilespmem:$0x1A880] =	vst v63  }
0x2d: {  	_ =	swait.ge [sflag:s19], $0x2800  }
0x2e: {  	[sflag:s19] =	ssyncset.done $0x0  }
0x2f: {  	[sflag:s19] =	ssyncadd.s32 $0xFFFFD800  }
0x30: {  	[spmem:s2] =	stream.indirect.scatter.add.f32 [tilespmem:s18], [sflag:$0x3], $0x80, s16, s17, $0xb8;
	[tilespmem:$0x1A880] =	vst v63  }
0x31: {  	_ = 	snop  }
0x32: {  	[tilespmem:s21], [sflag:$0x2] =	stream.indirect.gather [hbm4b:s1+s17], $0x80, s20, s17, $0xb8;
	[tilespmem:$0x1A880] =	vst v63  }
0x33: {  	_ =	swait.ge [sflag:s22], $0x2800  }
0x34: {  	[sflag:s22] =	ssyncset.done $0x0  }
0x35: {  	[sflag:s22] =	ssyncadd.s32 $0xFFFFD800  }
0x36: {  	[spmem:s2] =	stream.indirect.scatter.add.f32 [tilespmem:s21], [sflag:$0x4], $0x80, s23, s17, $0xb8;
	[tilespmem:$0x1A880] =	vst v63  }
0x37: {  	_ =	swait.ge [sflag:s24], $0x2800  }
0x38: {  	[sflag:s24] =	ssyncset.done $0x0  }
0x39: {  	[sflag:s24] =	ssyncadd.s32 $0xFFFFD800  }
0x3a: {  	[tilespmem:s18], [sflag:$0x1] =	stream.indirect.gather [hbm4b:s1+s17], $0x80, s25, s17, $0xb8;
	[tilespmem:$0x1A880] =	vst v63  }
0x3b: {  	_ =	swait.ge [sflag:s19], $0x2800  }
0x3c: {  	[sflag:s19] =	ssyncset.done $0x0  }
0x3d: {  	s6 =	simm.s32 $0x1100;
	[sflag:s19] =	ssyncadd.s32 $0xFFFFD800  }
0x3e: {  	[spmem:s2] =	stream.indirect.scatter.add.f32 [tilespmem:s18], [sflag:$0x3], $0x80, s6, s17, $0xb8;
	[tilespmem:$0x1A880] =	vst v63  }
0x3f: {  	_ =	swait.ge [sflag:s26], $0x2800  }
0x40: {  	[sflag:s26] =	ssyncset.done $0x0  }
0x41: {  	s6 =	simm.s32 $0x180;
	[sflag:s26] =	ssyncadd.s32 $0xFFFFD800  }
0x42: {  	[tilespmem:s21], [sflag:$0x2] =	stream.indirect.gather [hbm4b:s1+s17], $0x80, s6, s17, $0xb8;
	[tilespmem:$0x1A880] =	vst v63  }
0x43: {  	_ =	swait.ge [sflag:s22], $0x2800  }
0x44: {  	[sflag:s22] =	ssyncset.done $0x0  }
0x45: {  	s6 =	simm.s32 $0x1180;
	[sflag:s22] =	ssyncadd.s32 $0xFFFFD800  }
0x46: {  	[spmem:s2] =	stream.indirect.scatter.add.f32 [tilespmem:s21], [sflag:$0x4], $0x80, s6, s17, $0xb8;
	[tilespmem:$0x1A880] =	vst v63  }
0x47: {  	_ =	swait.ge [sflag:s24], $0x2800  }
0x48: {  	[sflag:s24] =	ssyncset.done $0x0  }
0x49: {  	s31 =	simm.s32 $0xFFFFD800;
	s0 =	simm.s32 $0x200;
	[sflag:s24] =	ssyncadd.s32 $0xFFFFD800  }
.LBB2_3:
0x4a: {  	[tilespmem:s18], [sflag:$0x1] =	stream.indirect.gather [hbm4b:s1+s17], $0x80, s0, s17, $0xb8;
	[tilespmem:$0x1A880] =	vst v63  }
0x4b: {  	s0 =	smov.u32 s31  }
0x4c: {  	p1 =	sne.s32 s31, $0xFFFFFC00;
	s31 =	sadd.s32 $0x400, s31;
	_ =	swait.ge [sflag:s19], $0x2800  }
0x4d: {  	s0 =	sshra.s32 s0, $0x2;
	[sflag:s19] =	ssyncset.done $0x0  }
0x4e: {  	s6 =	sadd.s32 $0x1C00, s0;
	[sflag:s19] =	ssyncadd.s32 $0xFFFFD800  }
0x4f: {  	[spmem:s2] =	stream.indirect.scatter.add.f32 [tilespmem:s18], [sflag:$0x3], $0x80, s6, s17, $0xb8;
	[tilespmem:$0x1A880] =	vst v63  }
0x50: {  	_ =	swait.ge [sflag:s26], $0x2800  }
0x51: {  	[sflag:s26] =	ssyncset.done $0x0  }
0x52: {  	s6 =	sadd.s32 $0xC80, s0;
	[sflag:s26] =	ssyncadd.s32 $0xFFFFD800  }
0x53: {  	[tilespmem:s21], [sflag:$0x2] =	stream.indirect.gather [hbm4b:s1+s17], $0x80, s6, s17, $0xb8;
	[tilespmem:$0x1A880] =	vst v63  }
0x54: {  	_ =	swait.ge [sflag:s22], $0x2800  }
0x55: {  	[sflag:s22] =	ssyncset.done $0x0  }
.Ltmp0:
0x56: {  	s6 =	sadd.s32 $0x1C80, s0;
	[sflag:s22] =	ssyncadd.s32 $0xFFFFD800;
	(pc) =	sbr.rel @p1 .LBB2_3-.Ltmp0, $4  }
0x57: {  	[spmem:s2] =	stream.indirect.scatter.add.f32 [tilespmem:s21], [sflag:$0x4], $0x80, s6, s17, $0xb8;
	[tilespmem:$0x1A880] =	vst v63  }
0x58: {  	_ =	swait.ge [sflag:s24], $0x2800  }
0x59: {  	[sflag:s24] =	ssyncset.done $0x0  }
0x5a: {  	s0 =	sadd.s32 $0xD00, s0;
	[sflag:s24] =	ssyncadd.s32 $0xFFFFD800  }
0x5b: {  	[tilespmem:s18], [sflag:$0x1] =	stream.indirect.gather [hbm4b:s1+s17], $0x80, s0, s17, $0xb8;
	[tilespmem:$0x1A880] =	vst v63  }
0x5c: {  	_ =	swait.ge [sflag:s19], $0x2800  }
0x5d: {  	[sflag:s19] =	ssyncset.done $0x0  }
0x5e: {  	s30 =	sadd.s32 $0x1, s30;
	[sflag:s19] =	ssyncadd.s32 $0xFFFFD800  }
0x5f: {  	[spmem:s2] =	stream.indirect.scatter.add.f32 [tilespmem:s18], [sflag:$0x3], $0x80, s28, s17, $0xb8;
	[tilespmem:$0x1A880] =	vst v63  }
0x60: {  	p1 =	sne.s32 s30, $0x5;
	_ =	swait.ge [sflag:s26], $0x2800  }
.Ltmp1:
0x61: {  	[sflag:s26] =	ssyncset.done $0x0;
	(pc) =	sbr.rel @p1 .LBB2_2-.Ltmp1, $4  }
0x62: {  	[sflag:s26] =	ssyncadd.s32 $0xFFFFD800  }
0x63: {  	_ =	swait.ge [sflag:s24], $0x2800  }
0x64: {  	[sflag:s24] =	ssyncset.done $0x0  }
0x65: {  	[sflag:s24] =	ssyncadd.s32 $0xFFFFD800  }
0x66: {  	[bflag:$0x0] =	sbarrier.arrive $0xFFFF  }
0x67: {  	[hbm:s10], [sflag:s7] =	dma.local [spmem:s13], $0x2700  }
0x68: {  	s29 =	sadd.s32 $0x1, s29;
	_ =	swait.ge [sflag:s14], $0x2700  }
0x69: {  	p1 =	sne.s32 s29, s12;
	[sflag:s14] =	ssyncset.done $0x0  }
.Ltmp2:
0x6a: {  	s0 =	simm.s32 @!p0 $0x5;
	[sflag:s14] =	ssyncadd.s32 $0xFFFFD900;
	(pc) =	sbr.rel @p1 .LBB2_1-.Ltmp2, $4  }
0x6b: {  	[hbm:s11], [sflag:s7] =	dma.local @!p0 [spmem:s15], $0x100  }
0x6c: {  	_ =	swait.ge @!p0 [sflag:s0], $0x100  }
0x6d: {  	[sflag:s0] =	ssyncset.done @!p0 $0x0  }
0x6e: {  	[sflag:s0] =	ssyncadd.s32 @!p0 $0xFFFFFF00  }
0x6f: {  	_ =	sfence.sel $0x180000  }
0x70: {  	[bflag:$0x0] =	sbarrier.arrive $0xFFFF  }
0x71: {  	_ =	strace $0x9000004A  }
0x72: {  	[bflag:$0x2] =	sbarrier.arrive $0xFFFF  }
0x73: {  	s0 =	rddreg [dreg:$0x4]  }
0x74: {  	s0 =	sadd.s32 @!p0 $0x100000, s0  }
0x75: {  	[sflag:s0] =	ssyncadd.tile.s32 @!p0 $0x1;
	_ =	shalt  }
.Lfunc_end2:
_tile_overlayer_lowered:
.L_overlay_start_2:
0x76: {  	(tag) =	ssettag $0x2  }
0x77: {  	s0 =	rddreg [dreg:$0x0];
	s2 =	stileid.u32  }
0x78: {  	s1 =	rddreg [dreg:$0x1];
	p0 =	sne.s32 s2, $0x0  }
0x79: {  	s3 =	rddreg [dreg:$0x2];
	[bflag:$0x3] =	sbarrier.arrive $0xFFFF;
	s2 =	simm.s32 @!p0 $0x1C05  }
0x7a: {  	[timem:s3], [sflag:s2] =	dma.local @!p0 [hbm:s0], s1  }
0x7b: {  	s0 =	simm.s32 @!p0 $0x5  }
0x7c: {  	_ =	swait.ge @!p0 [sflag:s0], s1  }
0x7d: {  	s1 =	ssub.s32 @!p0 $0x0, s1;
	[sflag:s0] =	ssyncset.done @!p0 $0x0  }
0x7e: {  	[sflag:s0] =	ssyncadd.s32 @!p0 s1  }
0x7f: {  	[bflag:$0x3] =	sbarrier.arrive $0xFFFF  }
0x80: {  	_ =	shalt  }

// kernel: kernel.13.cloned.1.call-start
scs
__scs_entry_jumppad:
0x0: {  	(pc) =	sbr.rel $0x88, $3  }
0x1: {  	(tag) =	ssettag $0x0;
	lr =	simm.s32 $0x1  }
0x2: {  	[smem:$0x3F99] =	sst lr;
	_ =	strace $0xD0000000  }
0x3: {  	_ = 	snop  }
0x4: {  	_ = 	snop  }
0x5: {  	_ = 	snop  }
0x6: {  	_ = 	snop  }
0x7: {  	_ = 	snop  }
__scs_overlays_trampoline_lowered:
0x8: {  	[smem:$0x3FA8] =	sst s0  }
0x9: {  	[smem:$0x3FA9] =	sst s1  }
0xa: {  	[smem:$0x3FAA] =	sst s2  }
0xb: {  	[smem:$0x3FAB] =	sst s3  }
0xc: {  	[smem:$0x3FAC] =	sst s4  }
0xd: {  	[smem:$0x3FAD] =	sst s5  }
0xe: {  	[smem:$0x3FAE] =	sst s6  }
0xf: {  	[smem:$0x3FAF] =	sst s7  }
0x10: {  	[smem:$0x3FB0] =	sst s8  }
0x11: {  	[smem:$0x3FB1] =	sst s9;
	s0 =	simm.s32 @!p0 $0x0  }
0x12: {  	s1 =	sld [smem:$0x3F97];
	s0 =	simm.s32 @p0 $0x1  }
0x13: {  	[smem:$0x3FB2] =	sst s0;
	s0 =	simm.s32 @!p1 $0x0  }
0x14: {  	s2 =	sld [smem:$0x3F96];
	s0 =	simm.s32 @p1 $0x1  }
0x15: {  	[smem:$0x3FB3] =	sst s0;
	s0 =	simm.s32 @!p2 $0x0  }
0x16: {  	s3 =	sld [smem:$0x3FDB];
	s0 =	simm.s32 @p2 $0x1  }
0x17: {  	s4 =	simm.s32 $0x1BF5;
	[smem:$0x3FB5] =	sst s0  }
0x18: {  	s0 =	sld [smem:$0x3F98];
	_ =	swait.ge [sflag:s4], $0x0  }
0x19: {  	s7 =	sld [smem:$0x3F99]  }
0x1a: {  	s8 =	sadd.s32 $0xFFFFE003, lr  }
0x1b: {  	s9 =	sadd.s32 $0xFFFFFEF7, lr;
	s5 =	simm.s32 $0xFFFFFFFF;
	p2 =	slt.u32 s8, $0xFFFFF086  }
0x1c: {  	p1 =	slt.u32 s9, $0xF7A;
	s5 =	simm.s32 @!p2 $0x0  }
0x1d: {  	s5 =	simm.s32 @p1 $0x1;
	p0 =	seq.s32 s7, s2  }
0x1e: {  	s7 =	smul.u32 @!p0 $0xF7A, s2;
	p2 =	seq.s32 @!p0 s5, $0x0  }
0x1f: {  	s9 =	smul.u32 $0xF7A, s1;
	s8 =	simm.s32 @!p0 $0x1BF5;
	p2 =	por !p2, p0  }
0x20: {  	[sflag:s8] =	ssyncset.s32 @!p0 $0xFFFFF086;
	s6 =	sadd.s32 @!p0 s3, s7;
	s7 =	simm.s32 @!p0 $0x108  }
0x21: {  	s3 =	sadd.s32 s3, s9;
	s6 =	sadd.s32 @!p0 $0x88, s6;
	s7 =	simm.s32 @p2 $0x1082  }
0x22: {  	[simem:s7], [sflag:s8] =	dma.local @!p0 [hbm:s6], $0xF7A  }
0x23: {  	s9 =	sor.u32 $0xD0000000, s2;
	s6 =	simm.s32 $0x108;
	_ =	swait.ge @!p0 [sflag:s8], $0x0  }
0x24: {  	s3 =	sadd.s32 $0x88, s3;
	s6 =	simm.s32 @!p1 $0x1082;
	[sflag:s4] =	ssyncset.s32 $0xFFFFF086  }
0x25: {  	[simem:s6], [sflag:s4] =	dma.local [hbm:s3], $0xF7A  }
0x26: {  	[smem:$0x3F99] =	sst s1;
	(tag) =	ssettag s2;
	_ =	strace s9  }
0x27: {  	s1 =	sld [smem:$0x3FA9]  }
0x28: {  	s2 =	sld [smem:$0x3FAA]  }
0x29: {  	s4 =	sld [smem:$0x3FAC]  }
0x2a: {  	p0 =	seq.s32 s5, $0x0;
	s5 =	sld [smem:$0x3FAD]  }
0x2b: {  	s6 =	sld [smem:$0x3FAE]  }
0x2c: {  	s7 =	sld [smem:$0x3FAF]  }
0x2d: {  	s3 =	simm.s32 $0x108;
	s8 =	sld [smem:$0x3FB0]  }
0x2e: {  	s3 =	simm.s32 @!p0 $0x1082;
	s9 =	sld [smem:$0x3FB1]  }
0x2f: {  	lr =	sadd.s32 s0, s3;
	s0 =	sld [smem:$0x3FA8]  }
0x30: {  	s3 =	sld [smem:$0x3FAB]  }
0x31: {  	[smem:$0x3FB4] =	sst s10  }
0x32: {  	s10 =	sld [smem:$0x3FB2];
	_ =	sdelay $0x3  }
0x33: {  	p0 =	seq.s32 s10, $0x1;
	s10 =	sld [smem:$0x3FB4];
	_ =	sdelay $0x3  }
0x34: {  	[smem:$0x3FB4] =	sst s10  }
0x35: {  	s10 =	sld [smem:$0x3FB3];
	_ =	sdelay $0x3  }
0x36: {  	p1 =	seq.s32 s10, $0x1;
	s10 =	sld [smem:$0x3FB4];
	_ =	sdelay $0x3  }
0x37: {  	[smem:$0x3FB4] =	sst s10  }
0x38: {  	s10 =	sld [smem:$0x3FB5]  }
0x39: {  	_ = 	snop;
	(pc) =	sbr.ind lr, $3  }
0x3a: {  	_ = 	snop  }
0x3b: {  	_ = 	snop  }
0x3c: {  	p2 =	seq.s32 s10, $0x1;
	s10 =	sld [smem:$0x3FB4]  }
0x3d: {  	_ =	shalt  }
0x3e: {  	_ =	shalt  }
0x3f: {  	_ =	shalt  }
0x40: {  	_ =	shalt  }
0x41: {  	_ =	shalt  }
0x42: {  	_ =	shalt  }
0x43: {  	_ =	shalt  }
0x44: {  	_ =	shalt  }
0x45: {  	_ =	shalt  }
0x46: {  	_ =	shalt  }
0x47: {  	_ =	shalt  }
0x48: {  	_ =	shalt  }
0x49: {  	_ =	shalt  }
0x4a: {  	_ =	shalt  }
0x4b: {  	_ =	shalt  }
0x4c: {  	_ =	shalt  }
0x4d: {  	_ =	shalt  }
0x4e: {  	_ =	shalt  }
0x4f: {  	_ =	shalt  }
0x50: {  	_ =	shalt  }
0x51: {  	_ =	shalt  }
0x52: {  	_ =	shalt  }
0x53: {  	_ =	shalt  }
0x54: {  	_ =	shalt  }
0x55: {  	_ =	shalt  }
0x56: {  	_ =	shalt  }
0x57: {  	_ =	shalt  }
0x58: {  	_ =	shalt  }
0x59: {  	_ =	shalt  }
0x5a: {  	_ =	shalt  }
0x5b: {  	_ =	shalt  }
0x5c: {  	_ =	shalt  }
0x5d: {  	_ =	shalt  }
0x5e: {  	_ =	shalt  }
0x5f: {  	_ =	shalt  }
0x60: {  	_ =	shalt  }
0x61: {  	_ =	shalt  }
0x62: {  	_ =	shalt  }
0x63: {  	_ =	shalt  }
0x64: {  	_ =	shalt  }
0x65: {  	_ =	shalt  }
0x66: {  	_ =	shalt  }
0x67: {  	_ =	shalt  }
0x68: {  	_ =	shalt  }
0x69: {  	_ =	shalt  }
0x6a: {  	_ =	shalt  }
0x6b: {  	_ =	shalt  }
0x6c: {  	_ =	shalt  }
0x6d: {  	_ =	shalt  }
0x6e: {  	_ =	shalt  }
0x6f: {  	_ =	shalt  }
0x70: {  	_ =	shalt  }
0x71: {  	_ =	shalt  }
0x72: {  	_ =	shalt  }
0x73: {  	_ =	shalt  }
0x74: {  	_ =	shalt  }
0x75: {  	_ =	shalt  }
0x76: {  	_ =	shalt  }
0x77: {  	_ =	shalt  }
0x78: {  	_ =	shalt  }
0x79: {  	_ =	shalt  }
0x7a: {  	_ =	shalt  }
0x7b: {  	_ =	shalt  }
0x7c: {  	_ =	shalt  }
0x7d: {  	_ =	shalt  }
0x7e: {  	_ =	shalt  }
0x7f: {  	_ =	shalt  }
0x80: {  	_ =	shalt  }
0x81: {  	_ =	shalt  }
0x82: {  	_ =	shalt  }
0x83: {  	_ =	shalt  }
0x84: {  	_ =	shalt  }
0x85: {  	_ =	shalt  }
0x86: {  	_ =	shalt  }
0x87: {  	_ =	shalt  }
.Lfunc_end0:
.L_simem_size_0:
called_computation.2_lowered:
.L_overlay_start_0:
0x88: {  	s2 =	sld [smem:$0x3FD9]  }
0x89: {  	s3 =	sld [smem:$0x3FFE];
	_ =	sdelay $0x1  }
0x8a: {  	s1 =	srdreg.scid  }
0x8b: {  	s0 =	sand.u32 $0x1, s1  }
0x8c: {  	s17 =	sshll.u32 s0, $0xA;
	s2 =	sadd.s32 s3, s2  }
0x8d: {  	s2 =	sadd.s32 s2, s17  }
0x8e: {  	[smem:$0x3FC0] =	sst s2  }
0x8f: {  	_ = 	snop  }
0x90: {  	s2 =	sld [smem:$0x3FD0];
	(tm) =	ssettm $0x1  }
0x91: {  	s18 =	sld [smem:$0x3FFB];
	_ =	sdelay $0x3  }
0x92: {  	_ =	strace s18  }
0x93: {  	s3 =	sld [smem:$0x3FFC];
	_ =	sdelay $0x3  }
0x94: {  	_ =	strace s3  }
0x95: {  	s3 =	sld [smem:$0x3FFD];
	_ =	sdelay $0x3  }
0x96: {  	_ =	strace s3  }
0x97: {  	_ =	strace $0x8FFFFFFF  }
0x98: {  	s19 =	sld [smem:$0x3FDB];
	_ =	sdelay $0x1  }
0x99: {  	s4 =	simm.s32 $_scs_section_size  }
0x9a: {  	s5 =	simm.s32 $_size__tile_overlayer_lowered;
	s6 =	simm.s32 $_tile_overlayer_lowered  }
0x9b: {  	s22 =	simm.s32 $0x1BFF;
	s21 =	sshll.u32 s6, $0x1;
	s3 =	sadd.s32 s4, s19  }
0x9c: {  	s7 =	simm.s32 $0x0;
	s20 =	sshll.u32 s5, $0x1;
	s5 =	sadd.s32 s21, s3  }
0x9d: {  	[timem:s7], [sflag:s22] =	dma.local [hbm:s5], s20  }
0x9e: {  	_ =	swait.ge [sflag:s22], s20  }
0x9f: {  	s4 =	ssub.s32 $0x0, s20;
	[sflag:s22] =	ssyncset.done $0x0  }
0xa0: {  	[sflag:s22] =	ssyncadd.s32 s4;
	_ =	sdelay $0x1  }
0xa1: {  	s23 =	simm.s32 $0x1B8B  }
0xa2: {  	_ =	swait.ge [sflag:s23], $0x1  }
0xa3: {  	[sflag:s23] =	ssyncset.done $0x0  }
0xa4: {  	s25 =	simm.s32 $0x1B8E;
	s24 =	sld [smem:$0x3FFE];
	[sflag:s23] =	ssyncadd.s32 $0xFFFFFFFF  }
0xa5: {  	s26 =	simm.s32 $execute0_lowered;
	[smem:$0x3FD2] =	sst s25  }
0xa6: {  	s5 =	sshll.u32 s26, $0x1;
	_ =	strace $0x8000004C;
	[dreg:$0x1] =	wrdreg $0xFFFFFFFF  }
0xa7: {  	s28 =	simm.s32 $_size_execute0_lowered;
	s3 =	sadd.s32 s3, s5;
	[dreg:$0x0] =	wrdreg $0x0  }
0xa8: {  	s5 =	sshll.u32 s28, $0x1;
	[dreg:$0x2] =	wrdreg s3  }
0xa9: {  	[dreg:$0x3] =	wrdreg s5  }
0xaa: {  	[dreg:$0x4] =	wrdreg $0xC0  }
0xab: {  	_ =	task [dreg:s7], $0x5FFFF  }
0xac: {  	[dreg:$0x1] =	wrdreg $0xFFFFFFFF  }
0xad: {  	[dreg:$0x0] =	wrdreg $0x60  }
0xae: {  	[dreg:$0x2] =	wrdreg s24  }
0xaf: {  	[dreg:$0x3] =	wrdreg s2  }
0xb0: {  	[dreg:$0x4] =	wrdreg $0x70000  }
0xb1: {  	[dreg:$0x5] =	wrdreg $0x9  }
0xb2: {  	_ =	task.clear_ibuf [dreg:s7], $0x6FFFF;
	_ =	strace $0x9000004C  }
0xb3: {  	s29 =	simm.s32 $0x9;
	_ =	strace $0x8000004E  }
0xb4: {  	_ =	swait.ge [sflag:s29], $0x1  }
0xb5: {  	[sflag:s29] =	ssyncadd.s32 $0xFFFFFFFF  }
0xb6: {  	_ =	strace $0x9000004E  }
0xb7: {  	_ =	sfence  }
0xb8: {  	s30 =	sld [smem:$0x0];
	_ =	sdelay $0x2  }
0xb9: {  	s31 =	sshll.u32 s1, $0xD;
	s1 =	sshrl.u32 s1, $0x2  }
0xba: {  	s3 =	sand.u32 $0x4000, s31;
	s1 =	sadd.s32 s1, s30  }
0xbb: {  	s0 =	sor.u32 s3, s0;
	s1 =	sshll.u32 s1, $0x11  }
0xbc: {  	s0 =	sor.u32 s1, s0  }
0xbd: {  	s0 =	sadd.s32 $0x8F2B, s0  }
0xbe: {  	[sflag:s0] =	ssyncadd.remote.s32 $0x1  }
0xbf: {  	_ =	sfence.sel $0xFFFF  }
0xc0: {  	[dreg:$0x0] =	wrdreg $0xFFFFFFFF;
	(pc) =	sbr.abs _section_cstart, $3  }
0xc1: {  	[dreg:$0x1] =	wrdreg $0xFFFFFFFF  }
0xc2: {  	_ =	task.clear_ibuf [dreg:s7], $0x2FFFF;
	_ =	strace $0x9FFFFFFF  }
0xc3: {  	(tm) =	ssettm $0x7FFFFFFF  }
tec
execute0_lowered:
.L_overlay_start_1:
0x0: {  	(tag) =	ssettag $0x1  }
0x1: {  	s0 =	rddreg [dreg:$0x0]  }
0x2: {  	s8 =	rddreg [dreg:$0x1]  }
0x3: {  	s1 =	rddreg [dreg:$0x2];
	s2 =	simm.s32 $0x0  }
0x4: {  	s6 =	srdreg.scid;
	s13 =	stileid.u32;
	s18 =	simm.s32 $0x2000  }
0x5: {  	s19 =	simm.s32 $0x1;
	s20 =	simm.s32 $0x80;
	s21 =	simm.s32 $0x4800  }
0x6: {  	s28 =	simm.s32 $0x1C00;
	s29 =	simm.s32 $0x0;
	[smem:$0x7FF] =	sst s2  }
0x7: {  	s3 =	sadd.s32 $0x3DC00, s0;
	s4 =	sadd.s32 $0x29C00, s0;
	s5 =	sadd.s32 $0x15C00, s0  }
0x8: {  	s6 =	sand.u32 $0x1, s6;
	s0 =	sadd.s32 $0x64E00, s0;
	s9 =	smul.u32 $0x4E000, s13  }
0x9: {  	s12 =	smul.u32 $0x13800, s13;
	s25 =	sshll.u32 s13, $0x6;
	s17 =	sadd.s32 $0x138000, s1  }
0xa: {  	p0 =	sne.s32 s13, $0x0;
	_ =	strace $0x8000004D;
	s7 =	ssub.s32 $0x2, s6  }
0xb: {  	s11 =	sshll.u32 s6, $0x4;
	s15 =	smul.u32 $0x138800, s6;
	s10 =	sshrl.u32 s7, $0x1  }
0xc: {  	s22 =	sor.u32 s13, s11;
	s23 =	sshrl.u32 s9, $0x2;
	s24 =	sshrl.u32 s12, $0x3  }
0xd: {  	s14 =	ssub.s32 s7, s10;
	s16 =	sadd.s32 s23, s1;
	s26 =	sadd.s32 s8, s24  }
0xe: {  	s7 =	sor.u32 $0x1C05, s25;
	s30 =	sadd.s32 s12, s15;
	s31 =	sshrl.u32 s15, $0x3  }
0xf: {  	s8 =	sadd.s32 $0x27000, s8;
	s9 =	smul.u32 $0x5000, s22;
	s15 =	sshrl.u32 @!p0 s17, $0x3  }
0x10: {  	s17 =	simm.s32 $0x50;
	s22 =	simm.s32 $0x2;
	s23 =	simm.s32 $0x1080  }
0x11: {  	s24 =	simm.s32 $0x3;
	s25 =	simm.s32 $0x100;
	[dreg:$0x4] =	wrdreg s26  }
0x12: {  	s12 =	sshrl.u32 s30, $0x3;
	s11 =	sadd.s32 s0, s31;
	s13 =	sshrl.u32 s16, $0x3  }
0x13: {  	s16 =	simm.s32 $0x1000;
	s26 =	simm.s32 $0x4;
	s10 =	sadd.s32 s0, s12  }
0x14: {  	s11 =	sadd.s32 $0x27000, s11;
	s12 =	smax.u32 s14, $0x1;
	s14 =	simm.s32 $0x5  }
.LBB2_1:
0x15: {  	s0 =	rddreg [dreg:$0x4]  }
0x16: {  	[spmem:s13], [sflag:s7] =	dma.local [hbm:s0], $0x2700  }
0x17: {  	_ =	swait.ge [sflag:s14], $0x2700  }
0x18: {  	[sflag:s14] =	ssyncset.done $0x0  }
0x19: {  	s0 =	simm.s32 @!p0 $0x5;
	[sflag:s14] =	ssyncadd.s32 $0xFFFFD900  }
0x1a: {  	[spmem:s15], [sflag:s7] =	dma.local @!p0 [hbm:s8], $0x100  }
0x1b: {  	_ =	swait.ge @!p0 [sflag:s0], $0x100  }
0x1c: {  	[sflag:s0] =	ssyncset.done @!p0 $0x0  }
0x1d: {  	[sflag:s0] =	ssyncadd.s32 @!p0 $0xFFFFFF00  }
0x1e: {  	s30 =	simm.s32 $0x0;
	[bflag:$0x0] =	sbarrier.arrive $0xFFFF  }
.LBB2_2:
0x1f: {  	s0 =	sshll.u32 s30, $0xC  }
0x20: {  	s0 =	sadd.s32 s9, s0  }
0x21: {  	s0 =	sshrl.u32 s0, $0x3  }
0x22: {  	s31 =	sadd.s32 s4, s0  }
0x23: {  	[tilespmem:s2], [sflag:$0x5] =	stream.linear.gather [hbm4b:s31+s2], $0xC80, $0x38;
	[tilespmem:$0x1A880] =	vst v63  }
0x24: {  	_ =	swait.ge [sflag:s14], $0xC80  }
0x25: {  	[sflag:s14] =	ssyncset.done $0x0  }
0x26: {  	s0 =	sadd.s32 s5, s0;
	[sflag:s14] =	ssyncadd.s32 $0xFFFFF380  }
0x27: {  	[tilespmem:s16], [sflag:$0x5] =	stream.linear.gather [hbm4b:s0+s2], $0xC80, $0x38;
	[tilespmem:$0x1A880] =	vst v63  }
0x28: {  	_ =	swait.ge [sflag:s14], $0xC80  }
0x29: {  	[sflag:s14] =	ssyncset.done $0x0  }
0x2a: {  	[sflag:s14] =	ssyncadd.s32 $0xFFFFF380  }
0x2b: {  	[tilespmem:s18], [sflag:$0x1] =	stream.indirect.gather [hbm4b:s3+s17], $0x80, s2, s17, $0xb8;
	[tilespmem:$0x1A880] =	vst v63  }
0x2c: {  	_ =	swait.ge [sflag:s19], $0x2800  }
0x2d: {  	[sflag:s19] =	ssyncset.done $0x0  }
0x2e: {  	[sflag:s19] =	ssyncadd.s32 $0xFFFFD800  }
0x2f: {  	[spmem:s1] =	stream.indirect.scatter.add.f32 [tilespmem:s18], [sflag:$0x3], $0x80, s16, s17, $0xb8;
	[tilespmem:$0x1A880] =	vst v63  }
0x30: {  	_ = 	snop  }
0x31: {  	[tilespmem:s21], [sflag:$0x2] =	stream.indirect.gather [hbm4b:s3+s17], $0x80, s20, s17, $0xb8;
	[tilespmem:$0x1A880] =	vst v63  }
0x32: {  	_ =	swait.ge [sflag:s22], $0x2800  }
0x33: {  	[sflag:s22] =	ssyncset.done $0x0  }
0x34: {  	[sflag:s22] =	ssyncadd.s32 $0xFFFFD800  }
0x35: {  	[spmem:s1] =	stream.indirect.scatter.add.f32 [tilespmem:s21], [sflag:$0x4], $0x80, s23, s17, $0xb8;
	[tilespmem:$0x1A880] =	vst v63  }
0x36: {  	_ =	swait.ge [sflag:s24], $0x2800  }
0x37: {  	[sflag:s24] =	ssyncset.done $0x0  }
0x38: {  	[sflag:s24] =	ssyncadd.s32 $0xFFFFD800  }
0x39: {  	[tilespmem:s18], [sflag:$0x1] =	stream.indirect.gather [hbm4b:s3+s17], $0x80, s25, s17, $0xb8;
	[tilespmem:$0x1A880] =	vst v63  }
0x3a: {  	_ =	swait.ge [sflag:s19], $0x2800  }
0x3b: {  	[sflag:s19] =	ssyncset.done $0x0  }
0x3c: {  	s6 =	simm.s32 $0x1100;
	[sflag:s19] =	ssyncadd.s32 $0xFFFFD800  }
0x3d: {  	[spmem:s1] =	stream.indirect.scatter.add.f32 [tilespmem:s18], [sflag:$0x3], $0x80, s6, s17, $0xb8;
	[tilespmem:$0x1A880] =	vst v63  }
0x3e: {  	_ =	swait.ge [sflag:s26], $0x2800  }
0x3f: {  	[sflag:s26] =	ssyncset.done $0x0  }
0x40: {  	s6 =	simm.s32 $0x180;
	[sflag:s26] =	ssyncadd.s32 $0xFFFFD800  }
0x41: {  	[tilespmem:s21], [sflag:$0x2] =	stream.indirect.gather [hbm4b:s3+s17], $0x80, s6, s17, $0xb8;
	[tilespmem:$0x1A880] =	vst v63  }
0x42: {  	_ =	swait.ge [sflag:s22], $0x2800  }
0x43: {  	[sflag:s22] =	ssyncset.done $0x0  }
0x44: {  	s6 =	simm.s32 $0x1180;
	[sflag:s22] =	ssyncadd.s32 $0xFFFFD800  }
0x45: {  	[spmem:s1] =	stream.indirect.scatter.add.f32 [tilespmem:s21], [sflag:$0x4], $0x80, s6, s17, $0xb8;
	[tilespmem:$0x1A880] =	vst v63  }
0x46: {  	_ =	swait.ge [sflag:s24], $0x2800  }
0x47: {  	[sflag:s24] =	ssyncset.done $0x0  }
0x48: {  	s31 =	simm.s32 $0xFFFFD800;
	s0 =	simm.s32 $0x200;
	[sflag:s24] =	ssyncadd.s32 $0xFFFFD800  }
.LBB2_3:
0x49: {  	[tilespmem:s18], [sflag:$0x1] =	stream.indirect.gather [hbm4b:s3+s17], $0x80, s0, s17, $0xb8;
	[tilespmem:$0x1A880] =	vst v63  }
0x4a: {  	s0 =	smov.u32 s31  }
0x4b: {  	p1 =	sne.s32 s31, $0xFFFFFC00;
	s31 =	sadd.s32 $0x400, s31;
	_ =	swait.ge [sflag:s19], $0x2800  }
0x4c: {  	s0 =	sshra.s32 s0, $0x2;
	[sflag:s19] =	ssyncset.done $0x0  }
0x4d: {  	s6 =	sadd.s32 $0x1C00, s0;
	[sflag:s19] =	ssyncadd.s32 $0xFFFFD800  }
0x4e: {  	[spmem:s1] =	stream.indirect.scatter.add.f32 [tilespmem:s18], [sflag:$0x3], $0x80, s6, s17, $0xb8;
	[tilespmem:$0x1A880] =	vst v63  }
0x4f: {  	_ =	swait.ge [sflag:s26], $0x2800  }
0x50: {  	[sflag:s26] =	ssyncset.done $0x0  }
0x51: {  	s6 =	sadd.s32 $0xC80, s0;
	[sflag:s26] =	ssyncadd.s32 $0xFFFFD800  }
0x52: {  	[tilespmem:s21], [sflag:$0x2] =	stream.indirect.gather [hbm4b:s3+s17], $0x80, s6, s17, $0xb8;
	[tilespmem:$0x1A880] =	vst v63  }
0x53: {  	_ =	swait.ge [sflag:s22], $0x2800  }
0x54: {  	[sflag:s22] =	ssyncset.done $0x0  }
.Ltmp0:
0x55: {  	s6 =	sadd.s32 $0x1C80, s0;
	[sflag:s22] =	ssyncadd.s32 $0xFFFFD800;
	(pc) =	sbr.rel @p1 .LBB2_3-.Ltmp0, $4  }
0x56: {  	[spmem:s1] =	stream.indirect.scatter.add.f32 [tilespmem:s21], [sflag:$0x4], $0x80, s6, s17, $0xb8;
	[tilespmem:$0x1A880] =	vst v63  }
0x57: {  	_ =	swait.ge [sflag:s24], $0x2800  }
0x58: {  	[sflag:s24] =	ssyncset.done $0x0  }
0x59: {  	s0 =	sadd.s32 $0xD00, s0;
	[sflag:s24] =	ssyncadd.s32 $0xFFFFD800  }
0x5a: {  	[tilespmem:s18], [sflag:$0x1] =	stream.indirect.gather [hbm4b:s3+s17], $0x80, s0, s17, $0xb8;
	[tilespmem:$0x1A880] =	vst v63  }
0x5b: {  	_ =	swait.ge [sflag:s19], $0x2800  }
0x5c: {  	[sflag:s19] =	ssyncset.done $0x0  }
0x5d: {  	s30 =	sadd.s32 $0x1, s30;
	[sflag:s19] =	ssyncadd.s32 $0xFFFFD800  }
0x5e: {  	[spmem:s1] =	stream.indirect.scatter.add.f32 [tilespmem:s18], [sflag:$0x3], $0x80, s28, s17, $0xb8;
	[tilespmem:$0x1A880] =	vst v63  }
0x5f: {  	p1 =	sne.s32 s30, $0x5;
	_ =	swait.ge [sflag:s26], $0x2800  }
.Ltmp1:
0x60: {  	[sflag:s26] =	ssyncset.done $0x0;
	(pc) =	sbr.rel @p1 .LBB2_2-.Ltmp1, $4  }
0x61: {  	[sflag:s26] =	ssyncadd.s32 $0xFFFFD800  }
0x62: {  	_ =	swait.ge [sflag:s24], $0x2800  }
0x63: {  	[sflag:s24] =	ssyncset.done $0x0  }
0x64: {  	[sflag:s24] =	ssyncadd.s32 $0xFFFFD800  }
0x65: {  	[bflag:$0x0] =	sbarrier.arrive $0xFFFF  }
0x66: {  	[hbm:s10], [sflag:s7] =	dma.local [spmem:s13], $0x2700  }
0x67: {  	s29 =	sadd.s32 $0x1, s29;
	_ =	swait.ge [sflag:s14], $0x2700  }
0x68: {  	p1 =	sne.s32 s29, s12;
	[sflag:s14] =	ssyncset.done $0x0  }
.Ltmp2:
0x69: {  	s0 =	simm.s32 @!p0 $0x5;
	[sflag:s14] =	ssyncadd.s32 $0xFFFFD900;
	(pc) =	sbr.rel @p1 .LBB2_1-.Ltmp2, $4  }
0x6a: {  	[hbm:s11], [sflag:s7] =	dma.local @!p0 [spmem:s15], $0x100  }
0x6b: {  	_ =	swait.ge @!p0 [sflag:s0], $0x100  }
0x6c: {  	[sflag:s0] =	ssyncset.done @!p0 $0x0  }
0x6d: {  	[sflag:s0] =	ssyncadd.s32 @!p0 $0xFFFFFF00  }
0x6e: {  	_ =	sfence.sel $0x180000  }
0x6f: {  	[bflag:$0x0] =	sbarrier.arrive $0xFFFF  }
0x70: {  	_ =	strace $0x9000004D  }
0x71: {  	[bflag:$0x2] =	sbarrier.arrive $0xFFFF  }
0x72: {  	s0 =	rddreg [dreg:$0x3]  }
0x73: {  	s0 =	sadd.s32 @!p0 $0x100000, s0  }
0x74: {  	[sflag:s0] =	ssyncadd.tile.s32 @!p0 $0x1;
	_ =	shalt  }
.Lfunc_end2:
_tile_overlayer_lowered:
.L_overlay_start_2:
0x75: {  	(tag) =	ssettag $0x2  }
0x76: {  	s0 =	rddreg [dreg:$0x0];
	s2 =	stileid.u32  }
0x77: {  	s1 =	rddreg [dreg:$0x1];
	p0 =	sne.s32 s2, $0x0  }
0x78: {  	s3 =	rddreg [dreg:$0x2];
	[bflag:$0x3] =	sbarrier.arrive $0xFFFF;
	s2 =	simm.s32 @!p0 $0x1C05  }
0x79: {  	[timem:s3], [sflag:s2] =	dma.local @!p0 [hbm:s0], s1  }
0x7a: {  	s0 =	simm.s32 @!p0 $0x5  }
0x7b: {  	_ =	swait.ge @!p0 [sflag:s0], s1  }
0x7c: {  	s1 =	ssub.s32 @!p0 $0x0, s1;
	[sflag:s0] =	ssyncset.done @!p0 $0x0  }
0x7d: {  	[sflag:s0] =	ssyncadd.s32 @!p0 s1  }
0x7e: {  	[bflag:$0x3] =	sbarrier.arrive $0xFFFF  }
0x7f: {  	_ =	shalt  }

// kernel: kernel.7.cloned.1.call-start
scs
__scs_entry_jumppad:
0x0: {  	(pc) =	sbr.rel $0x88, $3  }
0x1: {  	(tag) =	ssettag $0x0;
	lr =	simm.s32 $0x1  }
0x2: {  	[smem:$0x3F99] =	sst lr;
	_ =	strace $0xD0000000  }
0x3: {  	_ = 	snop  }
0x4: {  	_ = 	snop  }
0x5: {  	_ = 	snop  }
0x6: {  	_ = 	snop  }
0x7: {  	_ = 	snop  }
__scs_overlays_trampoline_lowered:
0x8: {  	[smem:$0x3FA8] =	sst s0  }
0x9: {  	[smem:$0x3FA9] =	sst s1  }
0xa: {  	[smem:$0x3FAA] =	sst s2  }
0xb: {  	[smem:$0x3FAB] =	sst s3  }
0xc: {  	[smem:$0x3FAC] =	sst s4  }
0xd: {  	[smem:$0x3FAD] =	sst s5  }
0xe: {  	[smem:$0x3FAE] =	sst s6  }
0xf: {  	[smem:$0x3FAF] =	sst s7  }
0x10: {  	[smem:$0x3FB0] =	sst s8  }
0x11: {  	[smem:$0x3FB1] =	sst s9;
	s0 =	simm.s32 @!p0 $0x0  }
0x12: {  	s1 =	sld [smem:$0x3F97];
	s0 =	simm.s32 @p0 $0x1  }
0x13: {  	[smem:$0x3FB2] =	sst s0;
	s0 =	simm.s32 @!p1 $0x0  }
0x14: {  	s2 =	sld [smem:$0x3F96];
	s0 =	simm.s32 @p1 $0x1  }
0x15: {  	[smem:$0x3FB3] =	sst s0;
	s0 =	simm.s32 @!p2 $0x0  }
0x16: {  	s3 =	sld [smem:$0x3FDB];
	s0 =	simm.s32 @p2 $0x1  }
0x17: {  	s4 =	simm.s32 $0x1BF5;
	[smem:$0x3FB5] =	sst s0  }
0x18: {  	s0 =	sld [smem:$0x3F98];
	_ =	swait.ge [sflag:s4], $0x0  }
0x19: {  	s7 =	sld [smem:$0x3F99]  }
0x1a: {  	s8 =	sadd.s32 $0xFFFFE003, lr  }
0x1b: {  	s9 =	sadd.s32 $0xFFFFFEF7, lr;
	s5 =	simm.s32 $0xFFFFFFFF;
	p2 =	slt.u32 s8, $0xFFFFF086  }
0x1c: {  	p1 =	slt.u32 s9, $0xF7A;
	s5 =	simm.s32 @!p2 $0x0  }
0x1d: {  	s5 =	simm.s32 @p1 $0x1;
	p0 =	seq.s32 s7, s2  }
0x1e: {  	s7 =	smul.u32 @!p0 $0xF7A, s2;
	p2 =	seq.s32 @!p0 s5, $0x0  }
0x1f: {  	s9 =	smul.u32 $0xF7A, s1;
	s8 =	simm.s32 @!p0 $0x1BF5;
	p2 =	por !p2, p0  }
0x20: {  	[sflag:s8] =	ssyncset.s32 @!p0 $0xFFFFF086;
	s6 =	sadd.s32 @!p0 s3, s7;
	s7 =	simm.s32 @!p0 $0x108  }
0x21: {  	s3 =	sadd.s32 s3, s9;
	s6 =	sadd.s32 @!p0 $0x88, s6;
	s7 =	simm.s32 @p2 $0x1082  }
0x22: {  	[simem:s7], [sflag:s8] =	dma.local @!p0 [hbm:s6], $0xF7A  }
0x23: {  	s9 =	sor.u32 $0xD0000000, s2;
	s6 =	simm.s32 $0x108;
	_ =	swait.ge @!p0 [sflag:s8], $0x0  }
0x24: {  	s3 =	sadd.s32 $0x88, s3;
	s6 =	simm.s32 @!p1 $0x1082;
	[sflag:s4] =	ssyncset.s32 $0xFFFFF086  }
0x25: {  	[simem:s6], [sflag:s4] =	dma.local [hbm:s3], $0xF7A  }
0x26: {  	[smem:$0x3F99] =	sst s1;
	(tag) =	ssettag s2;
	_ =	strace s9  }
0x27: {  	s1 =	sld [smem:$0x3FA9]  }
0x28: {  	s2 =	sld [smem:$0x3FAA]  }
0x29: {  	s4 =	sld [smem:$0x3FAC]  }
0x2a: {  	p0 =	seq.s32 s5, $0x0;
	s5 =	sld [smem:$0x3FAD]  }
0x2b: {  	s6 =	sld [smem:$0x3FAE]  }
0x2c: {  	s7 =	sld [smem:$0x3FAF]  }
0x2d: {  	s3 =	simm.s32 $0x108;
	s8 =	sld [smem:$0x3FB0]  }
0x2e: {  	s3 =	simm.s32 @!p0 $0x1082;
	s9 =	sld [smem:$0x3FB1]  }
0x2f: {  	lr =	sadd.s32 s0, s3;
	s0 =	sld [smem:$0x3FA8]  }
0x30: {  	s3 =	sld [smem:$0x3FAB]  }
0x31: {  	[smem:$0x3FB4] =	sst s10  }
0x32: {  	s10 =	sld [smem:$0x3FB2];
	_ =	sdelay $0x3  }
0x33: {  	p0 =	seq.s32 s10, $0x1;
	s10 =	sld [smem:$0x3FB4];
	_ =	sdelay $0x3  }
0x34: {  	[smem:$0x3FB4] =	sst s10  }
0x35: {  	s10 =	sld [smem:$0x3FB3];
	_ =	sdelay $0x3  }
0x36: {  	p1 =	seq.s32 s10, $0x1;
	s10 =	sld [smem:$0x3FB4];
	_ =	sdelay $0x3  }
0x37: {  	[smem:$0x3FB4] =	sst s10  }
0x38: {  	s10 =	sld [smem:$0x3FB5]  }
0x39: {  	_ = 	snop;
	(pc) =	sbr.ind lr, $3  }
0x3a: {  	_ = 	snop  }
0x3b: {  	_ = 	snop  }
0x3c: {  	p2 =	seq.s32 s10, $0x1;
	s10 =	sld [smem:$0x3FB4]  }
0x3d: {  	_ =	shalt  }
0x3e: {  	_ =	shalt  }
0x3f: {  	_ =	shalt  }
0x40: {  	_ =	shalt  }
0x41: {  	_ =	shalt  }
0x42: {  	_ =	shalt  }
0x43: {  	_ =	shalt  }
0x44: {  	_ =	shalt  }
0x45: {  	_ =	shalt  }
0x46: {  	_ =	shalt  }
0x47: {  	_ =	shalt  }
0x48: {  	_ =	shalt  }
0x49: {  	_ =	shalt  }
0x4a: {  	_ =	shalt  }
0x4b: {  	_ =	shalt  }
0x4c: {  	_ =	shalt  }
0x4d: {  	_ =	shalt  }
0x4e: {  	_ =	shalt  }
0x4f: {  	_ =	shalt  }
0x50: {  	_ =	shalt  }
0x51: {  	_ =	shalt  }
0x52: {  	_ =	shalt  }
0x53: {  	_ =	shalt  }
0x54: {  	_ =	shalt  }
0x55: {  	_ =	shalt  }
0x56: {  	_ =	shalt  }
0x57: {  	_ =	shalt  }
0x58: {  	_ =	shalt  }
0x59: {  	_ =	shalt  }
0x5a: {  	_ =	shalt  }
0x5b: {  	_ =	shalt  }
0x5c: {  	_ =	shalt  }
0x5d: {  	_ =	shalt  }
0x5e: {  	_ =	shalt  }
0x5f: {  	_ =	shalt  }
0x60: {  	_ =	shalt  }
0x61: {  	_ =	shalt  }
0x62: {  	_ =	shalt  }
0x63: {  	_ =	shalt  }
0x64: {  	_ =	shalt  }
0x65: {  	_ =	shalt  }
0x66: {  	_ =	shalt  }
0x67: {  	_ =	shalt  }
0x68: {  	_ =	shalt  }
0x69: {  	_ =	shalt  }
0x6a: {  	_ =	shalt  }
0x6b: {  	_ =	shalt  }
0x6c: {  	_ =	shalt  }
0x6d: {  	_ =	shalt  }
0x6e: {  	_ =	shalt  }
0x6f: {  	_ =	shalt  }
0x70: {  	_ =	shalt  }
0x71: {  	_ =	shalt  }
0x72: {  	_ =	shalt  }
0x73: {  	_ =	shalt  }
0x74: {  	_ =	shalt  }
0x75: {  	_ =	shalt  }
0x76: {  	_ =	shalt  }
0x77: {  	_ =	shalt  }
0x78: {  	_ =	shalt  }
0x79: {  	_ =	shalt  }
0x7a: {  	_ =	shalt  }
0x7b: {  	_ =	shalt  }
0x7c: {  	_ =	shalt  }
0x7d: {  	_ =	shalt  }
0x7e: {  	_ =	shalt  }
0x7f: {  	_ =	shalt  }
0x80: {  	_ =	shalt  }
0x81: {  	_ =	shalt  }
0x82: {  	_ =	shalt  }
0x83: {  	_ =	shalt  }
0x84: {  	_ =	shalt  }
0x85: {  	_ =	shalt  }
0x86: {  	_ =	shalt  }
0x87: {  	_ =	shalt  }
.Lfunc_end0:
.L_simem_size_0:
called_computation_lowered:
.L_overlay_start_0:
0x88: {  	s2 =	sld [smem:$0x3FD9]  }
0x89: {  	s3 =	sld [smem:$0x3FFE];
	_ =	sdelay $0x1  }
0x8a: {  	s1 =	srdreg.scid  }
0x8b: {  	s0 =	sand.u32 $0x1, s1  }
0x8c: {  	s16 =	sshll.u32 s0, $0xA;
	s2 =	sadd.s32 s3, s2  }
0x8d: {  	s2 =	sadd.s32 s2, s16  }
0x8e: {  	[smem:$0x3FC0] =	sst s2  }
0x8f: {  	_ = 	snop  }
0x90: {  	(tm) =	ssettm $0x1  }
0x91: {  	s17 =	sld [smem:$0x3FFB];
	_ =	sdelay $0x3  }
0x92: {  	_ =	strace s17  }
0x93: {  	s2 =	sld [smem:$0x3FFC];
	_ =	sdelay $0x3  }
0x94: {  	_ =	strace s2  }
0x95: {  	s2 =	sld [smem:$0x3FFD];
	_ =	sdelay $0x3  }
0x96: {  	_ =	strace s2  }
0x97: {  	_ =	strace $0x8FFFFFFF  }
0x98: {  	s18 =	sld [smem:$0x3FDB];
	_ =	sdelay $0x1  }
0x99: {  	s19 =	simm.s32 $_scs_section_size  }
0x9a: {  	s4 =	simm.s32 $_size__tile_overlayer_lowered;
	s5 =	simm.s32 $_tile_overlayer_lowered  }
0x9b: {  	s22 =	simm.s32 $0x1BFF;
	s21 =	sshll.u32 s5, $0x1;
	s2 =	sadd.s32 s19, s18  }
0x9c: {  	s6 =	simm.s32 $0x0;
	s20 =	sshll.u32 s4, $0x1;
	s4 =	sadd.s32 s21, s2  }
0x9d: {  	[timem:s6], [sflag:s22] =	dma.local [hbm:s4], s20  }
0x9e: {  	_ =	swait.ge [sflag:s22], s20  }
0x9f: {  	s3 =	ssub.s32 $0x0, s20;
	[sflag:s22] =	ssyncset.done $0x0  }
0xa0: {  	[sflag:s22] =	ssyncadd.s32 s3;
	_ =	sdelay $0x1  }
0xa1: {  	s23 =	simm.s32 $0x1B8B  }
0xa2: {  	_ =	swait.ge [sflag:s23], $0x1  }
0xa3: {  	[sflag:s23] =	ssyncset.done $0x0  }
0xa4: {  	s25 =	simm.s32 $0x1B8E;
	s24 =	sld [smem:$0x3FFE];
	[sflag:s23] =	ssyncadd.s32 $0xFFFFFFFF  }
0xa5: {  	s26 =	simm.s32 $execute0_lowered;
	[smem:$0x3FD2] =	sst s25  }
0xa6: {  	s4 =	sshll.u32 s26, $0x1;
	_ =	strace $0x80000046;
	[dreg:$0x1] =	wrdreg $0xFFFFFFFF  }
0xa7: {  	s28 =	simm.s32 $_size_execute0_lowered;
	s2 =	sadd.s32 s2, s4;
	[dreg:$0x0] =	wrdreg $0x0  }
0xa8: {  	s4 =	sshll.u32 s28, $0x1;
	[dreg:$0x2] =	wrdreg s2  }
0xa9: {  	[dreg:$0x3] =	wrdreg s4  }
0xaa: {  	[dreg:$0x4] =	wrdreg $0xC0  }
0xab: {  	_ =	task [dreg:s6], $0x5FFFF  }
0xac: {  	[dreg:$0x1] =	wrdreg $0xFFFFFFFF  }
0xad: {  	[dreg:$0x0] =	wrdreg $0x60  }
0xae: {  	[dreg:$0x2] =	wrdreg s24  }
0xaf: {  	[dreg:$0x3] =	wrdreg $0x9  }
0xb0: {  	_ =	task.clear_ibuf [dreg:s6], $0x4FFFF;
	_ =	strace $0x90000046  }
0xb1: {  	s29 =	simm.s32 $0x9;
	_ =	strace $0x80000048  }
0xb2: {  	_ =	swait.ge [sflag:s29], $0x1  }
0xb3: {  	[sflag:s29] =	ssyncadd.s32 $0xFFFFFFFF  }
0xb4: {  	_ =	strace $0x90000048  }
0xb5: {  	_ =	sfence  }
0xb6: {  	s30 =	sld [smem:$0x0];
	_ =	sdelay $0x2  }
0xb7: {  	s31 =	sshll.u32 s1, $0xD;
	s1 =	sshrl.u32 s1, $0x2  }
0xb8: {  	s3 =	sand.u32 $0x4000, s31;
	s1 =	sadd.s32 s1, s30  }
0xb9: {  	s0 =	sor.u32 s3, s0;
	s1 =	sshll.u32 s1, $0x11  }
0xba: {  	s0 =	sor.u32 s1, s0  }
0xbb: {  	s0 =	sadd.s32 $0x8F2B, s0  }
0xbc: {  	[sflag:s0] =	ssyncadd.remote.s32 $0x1  }
0xbd: {  	_ =	sfence.sel $0xFFFF  }
0xbe: {  	[dreg:$0x0] =	wrdreg $0xFFFFFFFF;
	(pc) =	sbr.abs _section_cstart, $3  }
0xbf: {  	[dreg:$0x1] =	wrdreg $0xFFFFFFFF  }
0xc0: {  	_ =	task.clear_ibuf [dreg:s6], $0x2FFFF;
	_ =	strace $0x9FFFFFFF  }
0xc1: {  	(tm) =	ssettm $0x7FFFFFFF  }
tec
execute0_lowered:
.L_overlay_start_1:
0x0: {  	(tag) =	ssettag $0x1  }
0x1: {  	s0 =	srdreg.scid  }
0x2: {  	s4 =	rddreg [dreg:$0x0];
	s3 =	sand.u32 $0x1, s0  }
0x3: {  	s1 =	stileid.u32;
	s7 =	simm.s32 $0x2780;
	s2 =	sshll.u32 s3, $0x4  }
0x4: {  	s0 =	rddreg [dreg:$0x1];
	s3 =	ssub.s32 $0x2, s3;
	s5 =	sor.u32 s1, s2  }
0x5: {  	s2 =	simm.s32 $0x0;
	s6 =	sshrl.u32 s3, $0x1;
	s5 =	smul.u32 $0x4E2, s5  }
0x6: {  	v1 =	vlaneseq.u32;
	s8 =	simm.s32 $0x0;
	[smem:$0x7FF] =	sst s2;
	s31 =	ssub.s32 s3, s6  }
0x7: {  	v0 =	vimm.f32 $0.0e+00;
	v1 =	vand.u32 $0x7, v1;
	s6 =	simm.s32 $0x1;
	_ =	strace $0x80000047;
	s4 =	sadd.s32 s5, s4  }
0x8: {  	v2 =	vimm.f32 $1.000000000e+00;
	vm0 =	vcmask $0x3F20;
	v1 =	vmul.u32 $0x2720, v1;
	s5 =	smax.u32 s31, $0x1;
	s3 =	sadd.s32 $0x2000, s4;
	s4 =	sadd.s32 $0xBE00, s4  }
.LBB2_1:
0x9: {  	s9 =	simm.s32 $0x40;
	s10 =	simm.s32 $0x0  }
.LBB2_2:
0xa: {  	p0 =	sne.s32 s9, $0x4E3C0;
	[tilespmem:s10+$0x2780] =	vst v0;
	s10 =	smov.u32 s9;
	s9 =	sadd.s32 $0x40, s9  }
.Ltmp0:
0xb: {  	(pc) =	sbr.rel @p0 .LBB2_2-.Ltmp0, $2  }
0xc: {  	_ =	sdelay $0x2  }
0xd: {  	s10 =	sshra.s32 s10, $0x2  }
0xe: {  	[tilespmem:s10+$0x2780] =	vst v0;
	s9 =	simm.s32 $0x0  }
0xf: {  	[tilespmem:s9], [sflag:$0x1] =	stream.linear.gather [hbm4b:s3+s9], $0x2710, $0x38;
	[tilespmem:$0x16080] =	vst v63  }
0x10: {  	_ =	swait.ge [sflag:s6], $0x2710  }
0x11: {  	[sflag:s6] =	ssyncset.done $0x0  }
0x12: {  	s11 =	simm.s32 $0x0;
	[sflag:s6] =	ssyncadd.s32 $0xFFFFD8F0  }
0x13: {  	s10 =	simm.s32 $0x40;
	v3 =	vld [tilespmem:s11+$0x0]  }
.LBB2_4:
0x14: {  	p0 =	sne.s32 s10, $0x9C00;
	_ =	sdelay $0x3  }
0x15: {  	v3 =	vadd.s32 v1, v3;
	_ =	sdelay $0x2  }
.Ltmp1:
0x16: {  	(pc) =	sbr.rel @p0 .LBB2_4-.Ltmp1, $4  }
0x17: {  	_ = 	snop  }
0x18: {  	[tilespmem:v3+s7+$0x0] =	vst.idx.add.f32.msk $0xff, v2  }
0x19: {  	s12 =	sshra.s32 s10, $0x2;
	[tilespmem:v3+s7+$0x0] =	vst.idx.add.f32.msk vm0, v2  }
0x1a: {  	s10 =	sadd.s32 $0x40, s10;
	v3 =	vld [tilespmem:s12+$0x0]  }
0x1b: {  	_ =	sdelay $0x3  }
0x1c: {  	v3 =	vadd.s32 v1, v3;
	_ =	sdelay $0x4  }
0x1d: {  	[tilespmem:v3+s7+$0x0] =	vst.idx.add.f32.msk $0xff, v2  }
0x1e: {  	[tilespmem:v3+s7+$0x0] =	vst.idx.add.f32.msk vm0, v2  }
0x1f: {  	v3 =	vld [tilespmem:s11+$0x4EA0]  }
0x20: {  	v4 =	vld [tilespmem:s11+$0x2780];
	_ =	sdelay $0x1  }
0x21: {  	v5 =	vld [tilespmem:s11+$0x75C0];
	_ =	sdelay $0x1  }
0x22: {  	v6 =	vld [tilespmem:s11+$0x9CE0]  }
0x23: {  	s10 =	sand.u32 $0x3FF0, s9;
	v3 =	vadd.f32 v3, v4  }
0x24: {  	v4 =	vld [tilespmem:s10+$0xC400]  }
0x25: {  	v3 =	vadd.f32 v5, v3  }
0x26: {  	v5 =	vld [tilespmem:s11+$0xEB20]  }
0x27: {  	v3 =	vadd.f32 v6, v3  }
0x28: {  	v63 =	vld [tilespmem:s11+$0x11240]  }
0x29: {  	v3 =	vadd.f32 v4, v3  }
0x2a: {  	v4 =	vld [tilespmem:s11+$0x13960]  }
0x2b: {  	v3 =	vadd.f32 v5, v3;
	_ =	sdelay $0x1  }
0x2c: {  	v3 =	vadd.f32 v63, v3;
	_ =	sdelay $0x1  }
0x2d: {  	v4 =	vadd.f32 v4, v3  }
0x2e: {  	s10 =	simm.s32 $0x10  }
0x2f: {  	s12 =	simm.s32 $0x80;
	v3 =	vld [tilespmem:s10+$0x4EA0];
	[tilespmem:s11+$0x2780] =	vst v4  }
.LBB2_6:
0x30: {  	p0 =	sne.s32 s12, $0x9C00;
	v4 =	vld [tilespmem:s10+$0x2780];
	_ =	sdelay $0x1  }
0x31: {  	v5 =	vld [tilespmem:s10+$0x75C0];
	_ =	sdelay $0x1  }
0x32: {  	s9 =	sadd.s32 $0x10, s9;
	v6 =	vld [tilespmem:s10+$0x9CE0]  }
0x33: {  	s11 =	sand.u32 $0x3FF0, s9;
	v3 =	vadd.f32 v3, v4  }
0x34: {  	v4 =	vld [tilespmem:s11+$0xC400]  }
0x35: {  	v3 =	vadd.f32 v5, v3  }
0x36: {  	v5 =	vld [tilespmem:s10+$0xEB20]  }
0x37: {  	v3 =	vadd.f32 v6, v3  }
0x38: {  	v6 =	vld [tilespmem:s10+$0x11240]  }
0x39: {  	v3 =	vadd.f32 v4, v3  }
0x3a: {  	v4 =	vld [tilespmem:s10+$0x13960]  }
0x3b: {  	v3 =	vadd.f32 v5, v3;
	_ =	sdelay $0x1  }
.Ltmp2:
0x3c: {  	v3 =	vadd.f32 v6, v3;
	(pc) =	sbr.rel @p0 .LBB2_6-.Ltmp2, $4  }
0x3d: {  	_ = 	snop  }
0x3e: {  	v4 =	vadd.f32 v4, v3  }
0x3f: {  	s11 =	sshra.s32 s12, $0x2  }
0x40: {  	s12 =	sadd.s32 $0x40, s12;
	v3 =	vld [tilespmem:s11+$0x4EA0];
	[tilespmem:s10+$0x2780] =	vst v4;
	s10 =	smov.u32 s11  }
0x41: {  	v4 =	vld [tilespmem:s10+$0x2780];
	_ =	sdelay $0x1  }
0x42: {  	v5 =	vld [tilespmem:s10+$0x75C0];
	_ =	sdelay $0x1  }
0x43: {  	v6 =	vld [tilespmem:s10+$0x9CE0];
	s9 =	sadd.s32 $0x10, s9  }
0x44: {  	s9 =	sand.u32 $0x3FF0, s9;
	v3 =	vadd.f32 v3, v4  }
0x45: {  	v60 =	vld [tilespmem:s9+$0xC400]  }
0x46: {  	v3 =	vadd.f32 v5, v3  }
0x47: {  	v61 =	vld [tilespmem:s10+$0xEB20]  }
0x48: {  	v3 =	vadd.f32 v6, v3  }
0x49: {  	v62 =	vld [tilespmem:s10+$0x11240]  }
0x4a: {  	v3 =	vadd.f32 v60, v3  }
0x4b: {  	v63 =	vld [tilespmem:s10+$0x13960]  }
0x4c: {  	v3 =	vadd.f32 v61, v3;
	_ =	sdelay $0x1  }
0x4d: {  	v3 =	vadd.f32 v62, v3;
	_ =	sdelay $0x1  }
0x4e: {  	s8 =	sadd.s32 $0x1, s8;
	v3 =	vadd.f32 v63, v3  }
0x4f: {  	p0 =	sne.s32 s8, s5  }
.Ltmp3:
0x50: {  	[tilespmem:s10+$0x2780] =	vst v3;
	(pc) =	sbr.rel @p0 .LBB2_1-.Ltmp3, $4  }
0x51: {  	[hbm4b:s4+s2] =	stream.linear.scatter [tilespmem:s7], [sflag:$0x1], $0x2710, $0x38;
	[tilespmem:$0x16080] =	vst v63  }
0x52: {  	_ =	swait.ge [sflag:s6], $0x2710  }
0x53: {  	[sflag:s6] =	ssyncset.done $0x0  }
0x54: {  	[sflag:s6] =	ssyncadd.s32 $0xFFFFD8F0  }
0x55: {  	_ =	sfence.sel $0x180000  }
0x56: {  	[bflag:$0x0] =	sbarrier.arrive $0xFFFF  }
0x57: {  	p0 =	sne.s32 s1, $0x0;
	_ =	strace $0x90000047  }
0x58: {  	s0 =	sadd.s32 @!p0 $0x100000, s0;
	[bflag:$0x2] =	sbarrier.arrive $0xFFFF  }
0x59: {  	[sflag:s0] =	ssyncadd.tile.s32 @!p0 $0x1;
	_ =	shalt  }
.Lfunc_end2:
_tile_overlayer_lowered:
.L_overlay_start_2:
0x5a: {  	(tag) =	ssettag $0x2  }
0x5b: {  	s0 =	rddreg [dreg:$0x0];
	s2 =	stileid.u32  }
0x5c: {  	s1 =	rddreg [dreg:$0x1];
	p0 =	sne.s32 s2, $0x0  }
0x5d: {  	s3 =	rddreg [dreg:$0x2];
	[bflag:$0x3] =	sbarrier.arrive $0xFFFF;
	s2 =	simm.s32 @!p0 $0x1C01  }
0x5e: {  	[timem:s3], [sflag:s2] =	dma.local @!p0 [hbm:s0], s1  }
0x5f: {  	s0 =	simm.s32 @!p0 $0x1  }
0x60: {  	_ =	swait.ge @!p0 [sflag:s0], s1  }
0x61: {  	s1 =	ssub.s32 @!p0 $0x0, s1;
	[sflag:s0] =	ssyncset.done @!p0 $0x0  }
0x62: {  	[sflag:s0] =	ssyncadd.s32 @!p0 s1  }
0x63: {  	[bflag:$0x3] =	sbarrier.arrive $0xFFFF  }
0x64: {  	_ =	shalt  }

</sc_bundles>
